<compile_context>
chip_gen: v7x
topology: tpu7x:2x2x1
jax: 0.10.2.dev20260603
libtpu: 0.0.44.dev20260713+nightly
codegen_flags: <defaults>
</compile_context>

<pallas_src>
import functools

import jax
import jax.numpy as jnp
from jax.experimental import pallas as pl

_HI = jax.lax.Precision.HIGHEST


def _pairwise_d2(xq, xa):
    c = xq.shape[1]
    if c <= 4:
        d2 = None
        for ch in range(c):
            diff = xq[:, ch:ch + 1] - xa[:, ch][None, :]
            sq = diff * diff
            d2 = sq if d2 is None else d2 + sq
        return d2
    g = jnp.dot(xq, xa.T, preferred_element_type=jnp.float32, precision=_HI)
    return (jnp.sum(xq * xq, axis=1, keepdims=True)
            + jnp.sum(xa * xa, axis=1)[None, :] - 2.0 * g)



def _dgcnn_kernel(xq_ref, xa_ref, w1_ref, b1_ref, w2_ref, b2_ref, o_ref, *, k):
    xq = xq_ref[0]
    xa = xa_ref[0]
    qb = xq.shape[0]
    n = xa.shape[0]
    d2 = _pairwise_d2(xq, xa)
    idx = jax.lax.broadcasted_iota(jnp.int32, (qb, n), 1)
    xjs = []
    for _ in range(k):
        m = jnp.min(d2, axis=1, keepdims=True)
        sel = jnp.min(jnp.where(d2 == m, idx, n), axis=1, keepdims=True)
        oh = idx == sel
        xjs.append(jnp.dot(oh.astype(jnp.float32), xa,
                           preferred_element_type=jnp.float32, precision=_HI))
        d2 = jnp.where(oh, jnp.inf, d2)
    xj = jnp.concatenate(xjs, axis=0)
    xi = jnp.concatenate([xq] * k, axis=0)
    e = jnp.concatenate([xi, xj - xi], axis=1)
    h = jnp.dot(e, w1_ref[...], preferred_element_type=jnp.float32) + b1_ref[...]
    h = jnp.maximum(h, 0.0)
    h = jnp.dot(h, w2_ref[...], preferred_element_type=jnp.float32) + b2_ref[...]
    h = jnp.maximum(h, 0.0)
    h2 = h.shape[1]
    o_ref[0] = jnp.max(h.reshape(k, qb, h2), axis=0)


def _dgcnn(x, ps, k=16):
    b, n, c = x.shape
    (w1, b1), (w2, b2) = ps
    h1 = w1.shape[1]
    h2 = w2.shape[1]
    qb = min(256, n)
    out = pl.pallas_call(
        functools.partial(_dgcnn_kernel, k=k),
        grid=(b, n // qb),
        in_specs=[
            pl.BlockSpec((1, qb, c), lambda i, j: (i, j, 0)),
            pl.BlockSpec((1, n, c), lambda i, j: (i, 0, 0)),
            pl.BlockSpec((2 * c, h1), lambda i, j: (0, 0)),
            pl.BlockSpec((1, h1), lambda i, j: (0, 0)),
            pl.BlockSpec((h1, h2), lambda i, j: (0, 0)),
            pl.BlockSpec((1, h2), lambda i, j: (0, 0)),
        ],
        out_specs=pl.BlockSpec((1, qb, h2), lambda i, j: (i, j, 0)),
        out_shape=jax.ShapeDtypeStruct((b, n, h2), jnp.float32),
    )(x, x, w1, b1.reshape(1, -1), w2, b2.reshape(1, -1))
    return out



def _fps_kernel(post_ref, o_ref, *, s):
    pt = post_ref[...]
    b = pt.shape[1]
    n = pt.shape[2]
    p0 = [pt[ch, :, 0:1] for ch in range(3)]
    o_ref[:, 0:1, :] = jnp.concatenate(p0, axis=1).reshape(b, 1, 3)
    d0 = ((pt[0] - p0[0]) ** 2 + (pt[1] - p0[1]) ** 2
          + (pt[2] - p0[2]) ** 2)
    iota = jax.lax.broadcasted_iota(jnp.int32, (b, n), 1)

    def body(i, mind2):
        m = jnp.max(mind2, axis=1, keepdims=True)
        sel = jnp.min(jnp.where(mind2 == m, iota, n), axis=1, keepdims=True)
        oh = iota == sel
        pch = [jnp.sum(jnp.where(oh, pt[ch], 0.0), axis=1, keepdims=True)
               for ch in range(3)]
        o_ref[:, pl.ds(i, 1), :] = jnp.concatenate(pch, axis=1).reshape(b, 1, 3)
        d2 = ((pt[0] - pch[0]) ** 2 + (pt[1] - pch[1]) ** 2
              + (pt[2] - pch[2]) ** 2)
        return jnp.minimum(mind2, d2)

    jax.lax.fori_loop(1, s, body, d0)


def _fps_qpos(pos, s):
    b, n, _ = pos.shape
    post = jnp.transpose(pos, (2, 0, 1))
    return pl.pallas_call(
        functools.partial(_fps_kernel, s=s),
        in_specs=[pl.BlockSpec((3, b, n), lambda: (0, 0, 0))],
        out_specs=pl.BlockSpec((b, s, 3), lambda: (0, 0, 0)),
        out_shape=jax.ShapeDtypeStruct((b, s, 3), jnp.float32),
    )(post)



def _pconv_kernel(qp_ref, pos_ref, x_ref, sm_ref, w1_ref, b1_ref, w2_ref,
                  b2_ref, o_ref, *, k, r2):
    qp = qp_ref[0]
    pos = pos_ref[0]
    x = x_ref[0]
    sb = qp.shape[0]
    n = pos.shape[0]
    d2 = _pairwise_d2(qp, pos)
    idx = jax.lax.broadcasted_iota(jnp.int32, (sb, n), 1)
    xjs, pjs, vals = [], [], []
    for _ in range(k):
        m = jnp.min(d2, axis=1, keepdims=True)
        sel = jnp.min(jnp.where(d2 == m, idx, n), axis=1, keepdims=True)
        oh = idx == sel
        ohf = oh.astype(jnp.float32)
        xjs.append(jnp.dot(ohf, x, preferred_element_type=jnp.float32,
                           precision=_HI))
        pjs.append(jnp.dot(ohf, pos, preferred_element_type=jnp.float32,
                           precision=_HI))
        vals.append(m)
        d2 = jnp.where(oh, jnp.inf, d2)
    xj = jnp.concatenate(xjs, axis=0)
    pj = jnp.concatenate(pjs, axis=0)
    qpt = jnp.concatenate([qp] * k, axis=0)
    e = jnp.concatenate([xj, pj - qpt], axis=1)
    h = jnp.dot(e, w1_ref[...], preferred_element_type=jnp.float32) + b1_ref[...]
    h = jnp.maximum(h, 0.0)
    h = jnp.dot(h, w2_ref[...], preferred_element_type=jnp.float32) + b2_ref[...]
    h = jnp.maximum(h, 0.0)
    val = jnp.concatenate(vals, axis=0)
    h = jnp.where(val <= r2, h, -jnp.inf)
    h2 = h.shape[1]
    h = jnp.max(h.reshape(k, sb, h2), axis=0)
    o_ref[0] = jnp.maximum(h, sm_ref[0])


def _pconv(x, pos, qpos, smsg, ps, r, k=16):
    b, n, din = x.shape
    s = qpos.shape[1]
    (w1, b1), (w2, b2) = ps
    h1 = w1.shape[1]
    h2 = w2.shape[1]
    sb = min(64, s)
    out = pl.pallas_call(
        functools.partial(_pconv_kernel, k=k, r2=r * r),
        grid=(b, s // sb),
        in_specs=[
            pl.BlockSpec((1, sb, 3), lambda i, j: (i, j, 0)),
            pl.BlockSpec((1, n, 3), lambda i, j: (i, 0, 0)),
            pl.BlockSpec((1, n, din), lambda i, j: (i, 0, 0)),
            pl.BlockSpec((1, sb, h2), lambda i, j: (i, j, 0)),
            pl.BlockSpec((din + 3, h1), lambda i, j: (0, 0)),
            pl.BlockSpec((1, h1), lambda i, j: (0, 0)),
            pl.BlockSpec((h1, h2), lambda i, j: (0, 0)),
            pl.BlockSpec((1, h2), lambda i, j: (0, 0)),
        ],
        out_specs=pl.BlockSpec((1, sb, h2), lambda i, j: (i, j, 0)),
        out_shape=jax.ShapeDtypeStruct((b, s, h2), jnp.float32),
    )(qpos, pos, x, smsg, w1, b1.reshape(1, -1), w2, b2.reshape(1, -1))
    return out



def _mlp_kernel(*refs, acts):
    o_ref = refs[-1]
    h = refs[0][...]
    for i, act in enumerate(acts):
        w = refs[1 + 2 * i][...]
        bb = refs[2 + 2 * i][...]
        h = jnp.dot(h, w, preferred_element_type=jnp.float32) + bb
        if act == 'relu':
            h = jnp.maximum(h, 0.0)
        elif act == 'sigmoid':
            h = jax.nn.sigmoid(h)
    o_ref[...] = h


def _mlp2d(x, layers, acts):
    m, cin = x.shape
    mb = min(512, m)
    specs = [pl.BlockSpec((mb, cin), lambda i: (i, 0))]
    args = [x]
    for w, bb in layers:
        specs.append(pl.BlockSpec(w.shape, lambda i: (0, 0)))
        specs.append(pl.BlockSpec((1, w.shape[1]), lambda i: (0, 0)))
        args += [w, bb.reshape(1, -1)]
    hout = layers[-1][0].shape[1]
    return pl.pallas_call(
        functools.partial(_mlp_kernel, acts=tuple(acts)),
        grid=(m // mb,),
        in_specs=specs,
        out_specs=pl.BlockSpec((mb, hout), lambda i: (i, 0)),
        out_shape=jax.ShapeDtypeStruct((m, hout), jnp.float32),
    )(*args)


def _conv_mlp(x, layers, acts):
    b, c, n = x.shape
    xm = jnp.transpose(x, (0, 2, 1)).reshape(b * n, c)
    ym = _mlp2d(xm, layers, acts)
    return jnp.transpose(ym.reshape(b, n, -1), (0, 2, 1))


def _colmm_kernel(x_ref, w_ref, b_ref, o_ref):
    o_ref[...] = (jnp.dot(x_ref[...], w_ref[...],
                          preferred_element_type=jnp.float32) + b_ref[...])


def _colmm(x, w, bcols, cb):
    m, kk = x.shape
    ncol = w.shape[1]
    return pl.pallas_call(
        _colmm_kernel,
        grid=(ncol // cb,),
        in_specs=[
            pl.BlockSpec((m, kk), lambda i: (0, 0)),
            pl.BlockSpec((kk, cb), lambda i: (0, i)),
            pl.BlockSpec((1, cb), lambda i: (0, i)),
        ],
        out_specs=pl.BlockSpec((m, cb), lambda i: (0, i)),
        out_shape=jax.ShapeDtypeStruct((m, ncol), jnp.float32),
    )(x, w, bcols)



def _pointnetpp(x, pos, ps, r, s):
    b, n, din = x.shape
    qpos = _fps_qpos(pos, s)
    q = b * s
    xf = x.reshape(b * n, din)[:q]
    pf = pos.reshape(b * n, 3)[:q]
    sin = jnp.concatenate([xf, pf - qpos.reshape(q, 3)], axis=-1)
    smsg = _mlp2d(sin, ps, ('relu', 'relu')).reshape(b, s, -1)
    h = _pconv(x, pos, qpos, smsg, ps, r)
    return h, qpos


def _decoder(pt, feat, p, up):
    b, _, n = pt.shape
    sc = jnp.broadcast_to(feat, (b, feat.shape[1], n))
    pos = jnp.transpose(pt, (0, 2, 1))
    dg = _dgcnn(pos, p['dg1'])
    pf = jnp.concatenate([sc, jnp.transpose(dg, (0, 2, 1))], axis=1)
    x1 = _conv_mlp(pf, p['mlp1'], ('relu', 'none'))
    wf = p['ps_w'].reshape(128, -1)
    xm = jnp.transpose(x1, (0, 2, 1)).reshape(b * n, 128)
    ym = _mlp2d(xm, [(wf, jnp.zeros((wf.shape[1],), jnp.float32))], ('none',))
    xe = ym.reshape(b, n, 128, up).transpose(0, 2, 1, 3).reshape(b, 128, n * up)
    out = _conv_mlp(xe, p['mlp2'], ('relu', 'none'))
    return out + jnp.repeat(pt, up, axis=2)


def kernel(x_ini, x_pos, x_pi, params):
    p1024 = 1024
    b = x_pos.shape[0] // p1024
    posb = x_pos.reshape(b, p1024, 3)
    x1 = _dgcnn(posb, params['ns_dg1'])
    x2 = _dgcnn(x1, params['ns_dg2'])
    gf = jnp.max(x2, axis=1)
    x4 = jnp.concatenate(
        [x1, x2, jnp.broadcast_to(gf[:, None, :], (b, p1024, gf.shape[-1]))],
        axis=-1)
    score = _mlp2d(x4.reshape(b * p1024, -1), params['ns_head'],
                   ('relu', 'none', 'sigmoid')).reshape(b, p1024, 1)
    h1, q1 = _pointnetpp(score, posb, params['pn1_nn'], 1.0, 256)
    h2, q2 = _pointnetpp(h1, q1, params['pn2_nn'], 2.0, 64)
    g = _mlp2d(jnp.concatenate([h2, q2], axis=-1).reshape(b * 64, -1),
               params['gn1_nn'], ('relu', 'relu'))
    shape_fea = jnp.max(g.reshape(b, 64, -1), axis=1)
    feat = shape_fea[:, :, None]
    wseed = params['seed_ps_w'].reshape(512, -1)
    bcols = jnp.repeat(params['seed_ps_b'], 64).reshape(1, -1)
    x1s = _colmm(shape_fea, wseed, bcols, 2048).reshape(b, 128, 64)
    frep = jnp.broadcast_to(feat, (b, feat.shape[1], 64))
    x1s = _conv_mlp(jnp.concatenate([x1s, frep], axis=1),
                    params['seed_mlp1'], ('relu', 'none'))
    x3 = _conv_mlp(jnp.concatenate([x1s, frep], axis=1),
                   params['seed_mlp3'], ('relu', 'none'))
    init_point = _conv_mlp(x3, params['seed_mlp4'], ('relu', 'none'))
    pd = _decoder(init_point, feat, params['dec2'], 2)
    pd = _decoder(pd, feat, params['dec4'], 4)
    pd = _decoder(pd, feat, params['dec4'], 4)
    return (score.reshape(-1, 1),
            jnp.transpose(init_point, (0, 2, 1)),
            jnp.transpose(pd, (0, 2, 1)))

# --- scband reference (transcript-rebuilt; emitter-appended) ---
"""Pipeline reference for scband-generator-59442347376915 (READ-ONLY COPY).

The authoritative reference and input builder live on the scoring server;
editing this copy changes nothing except your own understanding.
"""

import jax, jax.numpy as jnp
import numpy as np


def _mlp(ps, x):
    for W, b in ps:
        x = jax.nn.relu(x @ W + b)
    return x


def _head(ps, x):
    (W1, b1), (W2, b2), (W3, b3) = ps
    x = jax.nn.relu(x @ W1 + b1)
    x = x @ W2 + b2
    return x @ W3 + b3


def _mlp_conv(ps, x):
    n = len(ps)
    for i, (W, b) in enumerate(ps):
        x = jnp.einsum('bcn,co->bon', x, W) + b[None, :, None]
        if i < n - 1:
            x = jax.nn.relu(x)
    return x


def _gather(a, idx):
    return jax.vmap(lambda t, i: t[i])(a, idx)


def _dgcnn(x, ps, k=16):
    # DynamicEdgeConv: knn graph in feature space, max-aggr of nn([x_i, x_j - x_i])
    d2 = jnp.sum((x[:, :, None, :] - x[:, None, :, :]) ** 2, axis=-1)
    _, idx = jax.lax.top_k(-d2, k)
    xj = _gather(x, idx)
    xi = jnp.broadcast_to(x[:, :, None, :], xj.shape)
    h = _mlp(ps, jnp.concatenate([xi, xj - xi], axis=-1))
    return jax.nn.relu(jnp.max(h, axis=2))


def _fps(pos, S):
    # farthest point sampling per cloud, deterministic start at index 0
    B, N, _ = pos.shape
    mind2 = jnp.sum((pos - pos[:, :1, :]) ** 2, axis=-1)

    def step(carry, _):
        nxt = jnp.argmax(carry, axis=1)
        p = jnp.take_along_axis(pos, nxt[:, None, None], axis=1)
        carry = jnp.minimum(carry, jnp.sum((pos - p) ** 2, axis=-1))
        return carry, nxt

    _, sels = jax.lax.scan(step, mind2, None, length=S - 1)
    return jnp.concatenate([jnp.zeros((B, 1), dtype=sels.dtype), jnp.transpose(sels)], axis=1)


def _pointnetpp(x, pos, ps, r, S, k=16):
    # fps + radius (max k neighbors within r) + PointConv (max-aggr of nn([x_j, pos_j - pos_i])) with self loops
    B, N, din = x.shape
    idx = _fps(pos, S)
    qpos = _gather(pos, idx)
    d2 = jnp.sum((qpos[:, :, None, :] - pos[:, None, :, :]) ** 2, axis=-1)
    negd, nidx = jax.lax.top_k(-d2, k)
    valid = (-negd) <= r * r
    xj = _gather(x, nidx)
    pj = _gather(pos, nidx)
    msg = _mlp(ps, jnp.concatenate([xj, pj - qpos[:, :, None, :]], axis=-1))
    msg = jnp.where(valid[..., None], msg, -jnp.inf)
    # PyG-style add_self_loops on flattened indices (num_nodes = min(src, dst))
    Q = B * S
    xf = x.reshape(B * N, din)[:Q]
    pf = pos.reshape(B * N, 3)[:Q]
    smsg = _mlp(ps, jnp.concatenate([xf, pf - qpos.reshape(Q, 3)], axis=-1)).reshape(B, S, -1)
    return jnp.maximum(jnp.max(msg, axis=2), smsg), qpos


def _point_decoder(pt, feat, p, up):
    B, _, N = pt.shape
    sc = jnp.broadcast_to(feat, (B, feat.shape[1], N))
    pos = jnp.transpose(pt, (0, 2, 1))
    dg = _dgcnn(pos, p['dg1'])
    pf = jnp.concatenate([sc, jnp.transpose(dg, (0, 2, 1))], axis=1)
    x1 = _mlp_conv(p['mlp1'], pf)
    xe = jnp.einsum('bcn,cot->bont', x1, p['ps_w']).reshape(B, p['ps_w'].shape[1], N * up)
    out = _mlp_conv(p['mlp2'], xe)
    return out + jnp.repeat(pt, up, axis=2)


def _forward(x_ini, x_pos, params):
    P = 1024
    B = x_pos.shape[0] // P
    posb = x_pos.reshape(B, P, 3)
    # NoiseScoreNet
    x1 = _dgcnn(posb, params['ns_dg1'])
    x2 = _dgcnn(x1, params['ns_dg2'])
    gf = jnp.max(x2, axis=1)
    x4 = jnp.concatenate([x1, x2, jnp.broadcast_to(gf[:, None, :], (B, P, gf.shape[-1]))], axis=-1)
    score = jax.nn.sigmoid(_head(params['ns_head'], x4))
    # MMGraphExtractor
    h1, q1 = _pointnetpp(score, posb, params['pn1_nn'], 1.0, 256)
    h2, q2 = _pointnetpp(h1, q1, params['pn2_nn'], 2.0, 64)
    g = _mlp(params['gn1_nn'], jnp.concatenate([h2, q2], axis=-1))
    shape_fea = jnp.max(g, axis=1)
    feat = shape_fea[:, :, None]
    # SeedGenerator
    x1s = jnp.einsum('bc,cot->bot', shape_fea, params['seed_ps_w']) + params['seed_ps_b'][None, :, None]
    frep = jnp.broadcast_to(feat, (B, 512, x1s.shape[2]))
    x1s = _mlp_conv(params['seed_mlp1'], jnp.concatenate([x1s, frep], axis=1))
    x3 = _mlp_conv(params['seed_mlp3'], jnp.concatenate([x1s, frep], axis=1))
    init_point = _mlp_conv(params['seed_mlp4'], x3)
    # Decoders: up 2, then up 4 twice (shared weights)
    pd = _point_decoder(init_point, feat, params['dec2'], 2)
    pd = _point_decoder(pd, feat, params['dec4'], 4)
    pd = _point_decoder(pd, feat, params['dec4'], 4)
    return (score.reshape(-1, 1), jnp.transpose(init_point, (0, 2, 1)), jnp.transpose(pd, (0, 2, 1)))


def setup_inputs(seed: int = 0):
    key = jax.random.key(seed)
    cnt = [0]

    def nk():
        cnt[0] += 1
        return jax.random.fold_in(key, cnt[0])

    def lin(i, o):
        return (jax.random.normal(nk(), (i, o), jnp.float32) / np.sqrt(i),
                jax.random.normal(nk(), (o,), jnp.float32) * 0.01)

    def dec(up):
        return {'dg1': [lin(6, 32), lin(32, 64)],
                'ps_w': jax.random.normal(nk(), (128, 128, up), jnp.float32) / np.sqrt(128),
                'mlp1': [lin(576, 256), lin(256, 128)],
                'mlp2': [lin(128, 64), lin(64, 3)]}

    params = {
        'ns_dg1': [lin(6, 32), lin(32, 64)],
        'ns_dg2': [lin(128, 128), lin(128, 256)],
        'ns_head': [lin(576, 256), lin(256, 64), lin(64, 1)],
        'pn1_nn': [lin(4, 64), lin(64, 256)],
        'pn2_nn': [lin(259, 256), lin(256, 384)],
        'gn1_nn': [lin(387, 384), lin(384, 512)],
        'seed_ps_w': jax.random.normal(nk(), (512, 128, 64), jnp.float32) / np.sqrt(512),
        'seed_ps_b': jax.random.normal(nk(), (128,), jnp.float32) * 0.01,
        'seed_mlp1': [lin(640, 256), lin(256, 128)],
        'seed_mlp3': [lin(640, 128), lin(128, 128)],
        'seed_mlp4': [lin(128, 64), lin(64, 3)],
        'dec2': dec(2),
        'dec4': dec(4),
    }
    B, P = 8, 1024
    x_ini = jax.random.normal(nk(), (B * P, 3), jnp.float32)
    x_pos = jax.random.normal(nk(), (B * P, 3), jnp.float32)
    x_pi = jnp.repeat(jnp.arange(B, dtype=jnp.int32), P)
    return {'x_ini': x_ini, 'x_pos': x_pos, 'x_pi': x_pi, 'params': params}


def reference(x_ini, x_pos, x_pi, params):
    return _forward(x_ini, x_pos, params)

if __name__ == "__main__":
    import jax
    _d = setup_inputs()
    print(jax.jit(kernel)(*tuple(_d.values())))

</pallas_src>

<mosaic_0001>
module attributes {stable_mosaic.version = 14 : i64} {
  func.func @_mlp_kernel(%arg0: i32, %arg1: memref<512x576xf32, #tpu.memory_space<vmem>>, %arg2: memref<576x256xf32, #tpu.memory_space<vmem>>, %arg3: memref<1x256xf32, #tpu.memory_space<vmem>>, %arg4: memref<256x64xf32, #tpu.memory_space<vmem>>, %arg5: memref<1x64xf32, #tpu.memory_space<vmem>>, %arg6: memref<64x1xf32, #tpu.memory_space<vmem>>, %arg7: memref<1x1xf32, #tpu.memory_space<vmem>>, %arg8: memref<512x1xf32, #tpu.memory_space<vmem>>) attributes {dimension_semantics = [#tpu.dimension_semantics<arbitrary>], iteration_bounds = array<i64: 16>, scalar_prefetch = 0 : i64, scratch_operands = 0 : i64, tpu.core_type = #tpu.core_type<tc>, window_params = [{transform_indices = @transform_0, window_bounds = array<i64: 512, 576>}, {pipeline_mode = #tpu.pipeline_mode<synchronous>, transform_indices = @transform_1, window_bounds = array<i64: 576, 256>}, {pipeline_mode = #tpu.pipeline_mode<synchronous>, transform_indices = @transform_2, window_bounds = array<i64: 1, 256>}, {pipeline_mode = #tpu.pipeline_mode<synchronous>, transform_indices = @transform_3, window_bounds = array<i64: 256, 64>}, {pipeline_mode = #tpu.pipeline_mode<synchronous>, transform_indices = @transform_4, window_bounds = array<i64: 1, 64>}, {pipeline_mode = #tpu.pipeline_mode<synchronous>, transform_indices = @transform_5, window_bounds = array<i64: 64, 1>}, {pipeline_mode = #tpu.pipeline_mode<synchronous>, transform_indices = @transform_6, window_bounds = array<i64: 1, 1>}, {transform_indices = @transform_7, window_bounds = array<i64: 512, 1>}]} {
    %get3A = arith.constant 0 : index
    %get3A_0 = arith.constant 0 : index
    %get3A_1 = vector.load %arg1[%get3A, %get3A_0] : memref<512x576xf32, #tpu.memory_space<vmem>>, vector<512x576xf32>
    %get3A_2 = arith.constant 0 : index
    %get3A_3 = arith.constant 0 : index
    %get3A_4 = vector.load %arg2[%get3A_2, %get3A_3] : memref<576x256xf32, #tpu.memory_space<vmem>>, vector<576x256xf32>
    %get3A_5 = arith.constant 0 : index
    %get3A_6 = arith.constant 0 : index
    %get3A_7 = vector.load %arg3[%get3A_5, %get3A_6] : memref<1x256xf32, #tpu.memory_space<vmem>>, vector<1x256xf32>
    %dot_general3A = arith.constant dense<0.000000e+00> : vector<512x256xf32>
    %dot_general3A_8 = tpu.matmul %get3A_1, %get3A_4, %dot_general3A {dimension_numbers = #tpu.dot_dimension_numbers<[1], [0], [0], [1], [0, 0, 1, 1], [], []>, transpose_lhs_hint = false} : vector<512x576xf32>, vector<576x256xf32>, vector<512x256xf32> -> vector<512x256xf32>
    %add3A = vector.broadcast %get3A_7 : vector<1x256xf32> to vector<512x256xf32>
    %add3A_9 = arith.addf %dot_general3A_8, %add3A : vector<512x256xf32>
    %max3A = arith.constant 0.000000e+00 : f32
    %max3A_10 = vector.broadcast %max3A : f32 to vector<512x256xf32>
    %max3A_11 = arith.maximumf %add3A_9, %max3A_10 : vector<512x256xf32>
    %get3A_12 = arith.constant 0 : index
    %get3A_13 = arith.constant 0 : index
    %get3A_14 = vector.load %arg4[%get3A_12, %get3A_13] : memref<256x64xf32, #tpu.memory_space<vmem>>, vector<256x64xf32>
    %get3A_15 = arith.constant 0 : index
    %get3A_16 = arith.constant 0 : index
    %get3A_17 = vector.load %arg5[%get3A_15, %get3A_16] : memref<1x64xf32, #tpu.memory_space<vmem>>, vector<1x64xf32>
    %dot_general3A_18 = arith.constant dense<0.000000e+00> : vector<512x64xf32>
    %dot_general3A_19 = tpu.matmul %max3A_11, %get3A_14, %dot_general3A_18 {dimension_numbers = #tpu.dot_dimension_numbers<[1], [0], [0], [1], [0, 0, 1, 1], [], []>, transpose_lhs_hint = false} : vector<512x256xf32>, vector<256x64xf32>, vector<512x64xf32> -> vector<512x64xf32>
    %add3A_20 = vector.broadcast %get3A_17 : vector<1x64xf32> to vector<512x64xf32>
    %add3A_21 = arith.addf %dot_general3A_19, %add3A_20 : vector<512x64xf32>
    %get3A_22 = arith.constant 0 : index
    %get3A_23 = arith.constant 0 : index
    %get3A_24 = vector.load %arg6[%get3A_22, %get3A_23] : memref<64x1xf32, #tpu.memory_space<vmem>>, vector<64x1xf32>
    %get3A_25 = arith.constant 0 : index
    %get3A_26 = arith.constant 0 : index
    %get3A_27 = vector.load %arg7[%get3A_25, %get3A_26] : memref<1x1xf32, #tpu.memory_space<vmem>>, vector<1x1xf32>
    %dot_general3A_28 = arith.constant dense<0.000000e+00> : vector<512x1xf32>
    %dot_general3A_29 = tpu.matmul %add3A_21, %get3A_24, %dot_general3A_28 {dimension_numbers = #tpu.dot_dimension_numbers<[1], [0], [0], [1], [0, 0, 1, 1], [], []>, transpose_lhs_hint = false} : vector<512x64xf32>, vector<64x1xf32>, vector<512x1xf32> -> vector<512x1xf32>
    %add3A_30 = vector.broadcast %get3A_27 : vector<1x1xf32> to vector<512x1xf32>
    %add3A_31 = arith.addf %dot_general3A_29, %add3A_30 : vector<512x1xf32>
    %logistic3A = arith.negf %add3A_31 : vector<512x1xf32>
    %logistic3A_32 = math.exp %logistic3A : vector<512x1xf32>
    %logistic3A_33 = arith.constant 1.000000e+00 : f32
    %logistic3A_34 = vector.broadcast %logistic3A_33 : f32 to vector<512x1xf32>
    %logistic3A_35 = arith.addf %logistic3A_34, %logistic3A_32 : vector<512x1xf32>
    %logistic3A_36 = arith.divf %logistic3A_34, %logistic3A_35 : vector<512x1xf32>
    %swap3A = arith.constant 0 : index
    %swap3A_37 = arith.constant 0 : index
    %swap3A_38 = vector.load %arg8[%swap3A, %swap3A_37] : memref<512x1xf32, #tpu.memory_space<vmem>>, vector<512x1xf32>
    tpu.vector_store %arg8[%swap3A, %swap3A_37], %logistic3A_36 {strides = array<i32>} : memref<512x1xf32, #tpu.memory_space<vmem>>, vector<512x1xf32>,
    return
  }
  func.func @transform_0(%arg0: i32) -> (i32, i32) {
    %c0_i32 = arith.constant 0 : i32
    %c0_i32_0 = arith.constant 0 : i32
    return %arg0, %c0_i32 : i32, i32
  }
  func.func @transform_1(%arg0: i32) -> (i32, i32) {
    %c0_i32 = arith.constant 0 : i32
    %c0_i32_0 = arith.constant 0 : i32
    %c0_i32_1 = arith.constant 0 : i32
    return %c0_i32, %c0_i32_0 : i32, i32
  }
  func.func @transform_2(%arg0: i32) -> (i32, i32) {
    %c0_i32 = arith.constant 0 : i32
    %c0_i32_0 = arith.constant 0 : i32
    %c0_i32_1 = arith.constant 0 : i32
    return %c0_i32, %c0_i32_0 : i32, i32
  }
  func.func @transform_3(%arg0: i32) -> (i32, i32) {
    %c0_i32 = arith.constant 0 : i32
    %c0_i32_0 = arith.constant 0 : i32
    %c0_i32_1 = arith.constant 0 : i32
    return %c0_i32, %c0_i32_0 : i32, i32
  }
  func.func @transform_4(%arg0: i32) -> (i32, i32) {
    %c0_i32 = arith.constant 0 : i32
    %c0_i32_0 = arith.constant 0 : i32
    %c0_i32_1 = arith.constant 0 : i32
    return %c0_i32, %c0_i32_0 : i32, i32
  }
  func.func @transform_5(%arg0: i32) -> (i32, i32) {
    %c0_i32 = arith.constant 0 : i32
    %c0_i32_0 = arith.constant 0 : i32
    %c0_i32_1 = arith.constant 0 : i32
    return %c0_i32, %c0_i32_0 : i32, i32
  }
  func.func @transform_6(%arg0: i32) -> (i32, i32) {
    %c0_i32 = arith.constant 0 : i32
    %c0_i32_0 = arith.constant 0 : i32
    %c0_i32_1 = arith.constant 0 : i32
    return %c0_i32, %c0_i32_0 : i32, i32
  }
  func.func @transform_7(%arg0: i32) -> (i32, i32) {
    %c0_i32 = arith.constant 0 : i32
    %c0_i32_0 = arith.constant 0 : i32
    return %arg0, %c0_i32 : i32, i32
  }
}

module attributes {stable_mosaic.version = 14 : i64} {
  func.func @_mlp_kernel(%arg0: i32, %arg1: memref<512x387xf32, #tpu.memory_space<vmem>>, %arg2: memref<387x384xf32, #tpu.memory_space<vmem>>, %arg3: memref<1x384xf32, #tpu.memory_space<vmem>>, %arg4: memref<384x512xf32, #tpu.memory_space<vmem>>, %arg5: memref<1x512xf32, #tpu.memory_space<vmem>>, %arg6: memref<512x512xf32, #tpu.memory_space<vmem>>) attributes {dimension_semantics = [#tpu.dimension_semantics<arbitrary>], iteration_bounds = array<i64: 1>, scalar_prefetch = 0 : i64, scratch_operands = 0 : i64, tpu.core_type = #tpu.core_type<tc>, window_params = [{transform_indices = @transform_0, window_bounds = array<i64: 512, 387>}, {pipeline_mode = #tpu.pipeline_mode<synchronous>, transform_indices = @transform_1, window_bounds = array<i64: 387, 384>}, {pipeline_mode = #tpu.pipeline_mode<synchronous>, transform_indices = @transform_2, window_bounds = array<i64: 1, 384>}, {pipeline_mode = #tpu.pipeline_mode<synchronous>, transform_indices = @transform_3, window_bounds = array<i64: 384, 512>}, {pipeline_mode = #tpu.pipeline_mode<synchronous>, transform_indices = @transform_4, window_bounds = array<i64: 1, 512>}, {transform_indices = @transform_5, window_bounds = array<i64: 512, 512>}]} {
    %get3A = arith.constant 0 : index
    %get3A_0 = arith.constant 0 : index
    %get3A_1 = vector.load %arg1[%get3A, %get3A_0] : memref<512x387xf32, #tpu.memory_space<vmem>>, vector<512x387xf32>
    %get3A_2 = arith.constant 0 : index
    %get3A_3 = arith.constant 0 : index
    %get3A_4 = vector.load %arg2[%get3A_2, %get3A_3] : memref<387x384xf32, #tpu.memory_space<vmem>>, vector<387x384xf32>
    %get3A_5 = arith.constant 0 : index
    %get3A_6 = arith.constant 0 : index
    %get3A_7 = vector.load %arg3[%get3A_5, %get3A_6] : memref<1x384xf32, #tpu.memory_space<vmem>>, vector<1x384xf32>
    %dot_general3A = arith.constant dense<0.000000e+00> : vector<512x384xf32>
    %dot_general3A_8 = tpu.matmul %get3A_1, %get3A_4, %dot_general3A {dimension_numbers = #tpu.dot_dimension_numbers<[1], [0], [0], [1], [0, 0, 1, 1], [], []>, transpose_lhs_hint = false} : vector<512x387xf32>, vector<387x384xf32>, vector<512x384xf32> -> vector<512x384xf32>
    %add3A = vector.broadcast %get3A_7 : vector<1x384xf32> to vector<512x384xf32>
    %add3A_9 = arith.addf %dot_general3A_8, %add3A : vector<512x384xf32>
    %max3A = arith.constant 0.000000e+00 : f32
    %max3A_10 = vector.broadcast %max3A : f32 to vector<512x384xf32>
    %max3A_11 = arith.maximumf %add3A_9, %max3A_10 : vector<512x384xf32>
    %get3A_12 = arith.constant 0 : index
    %get3A_13 = arith.constant 0 : index
    %get3A_14 = vector.load %arg4[%get3A_12, %get3A_13] : memref<384x512xf32, #tpu.memory_space<vmem>>, vector<384x512xf32>
    %get3A_15 = arith.constant 0 : index
    %get3A_16 = arith.constant 0 : index
    %get3A_17 = vector.load %arg5[%get3A_15, %get3A_16] : memref<1x512xf32, #tpu.memory_space<vmem>>, vector<1x512xf32>
    %dot_general3A_18 = arith.constant dense<0.000000e+00> : vector<512x512xf32>
    %dot_general3A_19 = tpu.matmul %max3A_11, %get3A_14, %dot_general3A_18 {dimension_numbers = #tpu.dot_dimension_numbers<[1], [0], [0], [1], [0, 0, 1, 1], [], []>, transpose_lhs_hint = false} : vector<512x384xf32>, vector<384x512xf32>, vector<512x512xf32> -> vector<512x512xf32>
    %add3A_20 = vector.broadcast %get3A_17 : vector<1x512xf32> to vector<512x512xf32>
    %add3A_21 = arith.addf %dot_general3A_19, %add3A_20 : vector<512x512xf32>
    %max3A_22 = arith.constant 0.000000e+00 : f32
    %max3A_23 = vector.broadcast %max3A_22 : f32 to vector<512x512xf32>
    %max3A_24 = arith.maximumf %add3A_21, %max3A_23 : vector<512x512xf32>
    %swap3A = arith.constant 0 : index
    %swap3A_25 = arith.constant 0 : index
    %swap3A_26 = vector.load %arg6[%swap3A, %swap3A_25] : memref<512x512xf32, #tpu.memory_space<vmem>>, vector<512x512xf32>
    tpu.vector_store %arg6[%swap3A, %swap3A_25], %max3A_24 {strides = array<i32>} : memref<512x512xf32, #tpu.memory_space<vmem>>, vector<512x512xf32>,
    return
  }
  func.func @transform_0(%arg0: i32) -> (i32, i32) {
    %c0_i32 = arith.constant 0 : i32
    %c0_i32_0 = arith.constant 0 : i32
    return %arg0, %c0_i32 : i32, i32
  }
  func.func @transform_1(%arg0: i32) -> (i32, i32) {
    %c0_i32 = arith.constant 0 : i32
    %c0_i32_0 = arith.constant 0 : i32
    %c0_i32_1 = arith.constant 0 : i32
    return %c0_i32, %c0_i32_0 : i32, i32
  }
  func.func @transform_2(%arg0: i32) -> (i32, i32) {
    %c0_i32 = arith.constant 0 : i32
    %c0_i32_0 = arith.constant 0 : i32
    %c0_i32_1 = arith.constant 0 : i32
    return %c0_i32, %c0_i32_0 : i32, i32
  }
  func.func @transform_3(%arg0: i32) -> (i32, i32) {
    %c0_i32 = arith.constant 0 : i32
    %c0_i32_0 = arith.constant 0 : i32
    %c0_i32_1 = arith.constant 0 : i32
    return %c0_i32, %c0_i32_0 : i32, i32
  }
  func.func @transform_4(%arg0: i32) -> (i32, i32) {
    %c0_i32 = arith.constant 0 : i32
    %c0_i32_0 = arith.constant 0 : i32
    %c0_i32_1 = arith.constant 0 : i32
    return %c0_i32, %c0_i32_0 : i32, i32
  }
  func.func @transform_5(%arg0: i32) -> (i32, i32) {
    %c0_i32 = arith.constant 0 : i32
    %c0_i32_0 = arith.constant 0 : i32
    return %arg0, %c0_i32 : i32, i32
  }
}

module attributes {stable_mosaic.version = 14 : i64} {
  func.func @_colmm_kernel(%arg0: i32, %arg1: memref<8x512xf32, #tpu.memory_space<vmem>>, %arg2: memref<512x2048xf32, #tpu.memory_space<vmem>>, %arg3: memref<1x2048xf32, #tpu.memory_space<vmem>>, %arg4: memref<8x2048xf32, #tpu.memory_space<vmem>>) attributes {dimension_semantics = [#tpu.dimension_semantics<arbitrary>], iteration_bounds = array<i64: 4>, scalar_prefetch = 0 : i64, scratch_operands = 0 : i64, tpu.core_type = #tpu.core_type<tc>, window_params = [{pipeline_mode = #tpu.pipeline_mode<synchronous>, transform_indices = @transform_0, window_bounds = array<i64: 8, 512>}, {transform_indices = @transform_1, window_bounds = array<i64: 512, 2048>}, {transform_indices = @transform_2, window_bounds = array<i64: 1, 2048>}, {transform_indices = @transform_3, window_bounds = array<i64: 8, 2048>}]} {
    %get3A = arith.constant 0 : index
    %get3A_0 = arith.constant 0 : index
    %get3A_1 = vector.load %arg1[%get3A, %get3A_0] : memref<8x512xf32, #tpu.memory_space<vmem>>, vector<8x512xf32>
    %get3A_2 = arith.constant 0 : index
    %get3A_3 = arith.constant 0 : index
    %get3A_4 = vector.load %arg2[%get3A_2, %get3A_3] : memref<512x2048xf32, #tpu.memory_space<vmem>>, vector<512x2048xf32>
    %dot_general3A = arith.constant dense<0.000000e+00> : vector<8x2048xf32>
    %dot_general3A_5 = tpu.matmul %get3A_1, %get3A_4, %dot_general3A {dimension_numbers = #tpu.dot_dimension_numbers<[1], [0], [0], [1], [0, 0, 1, 1], [], []>, transpose_lhs_hint = false} : vector<8x512xf32>, vector<512x2048xf32>, vector<8x2048xf32> -> vector<8x2048xf32>
    %get3A_6 = arith.constant 0 : index
    %get3A_7 = arith.constant 0 : index
    %get3A_8 = vector.load %arg3[%get3A_6, %get3A_7] : memref<1x2048xf32, #tpu.memory_space<vmem>>, vector<1x2048xf32>
    %add3A = vector.broadcast %get3A_8 : vector<1x2048xf32> to vector<8x2048xf32>
    %add3A_9 = arith.addf %dot_general3A_5, %add3A : vector<8x2048xf32>
    %swap3A = arith.constant 0 : index
    %swap3A_10 = arith.constant 0 : index
    %swap3A_11 = vector.load %arg4[%swap3A, %swap3A_10] : memref<8x2048xf32, #tpu.memory_space<vmem>>, vector<8x2048xf32>
    tpu.vector_store %arg4[%swap3A, %swap3A_10], %add3A_9 {strides = array<i32>} : memref<8x2048xf32, #tpu.memory_space<vmem>>, vector<8x2048xf32>,
    return
  }
  func.func @transform_0(%arg0: i32) -> (i32, i32) {
    %c0_i32 = arith.constant 0 : i32
    %c0_i32_0 = arith.constant 0 : i32
    %c0_i32_1 = arith.constant 0 : i32
    return %c0_i32, %c0_i32_0 : i32, i32
  }
  func.func @transform_1(%arg0: i32) -> (i32, i32) {
    %c0_i32 = arith.constant 0 : i32
    %c0_i32_0 = arith.constant 0 : i32
    return %c0_i32, %arg0 : i32, i32
  }
  func.func @transform_2(%arg0: i32) -> (i32, i32) {
    %c0_i32 = arith.constant 0 : i32
    %c0_i32_0 = arith.constant 0 : i32
    return %c0_i32, %arg0 : i32, i32
  }
  func.func @transform_3(%arg0: i32) -> (i32, i32) {
    %c0_i32 = arith.constant 0 : i32
    %c0_i32_0 = arith.constant 0 : i32
    return %c0_i32, %arg0 : i32, i32
  }
}

module attributes {stable_mosaic.version = 14 : i64} {
  func.func @_mlp_kernel(%arg0: i32, %arg1: memref<512x640xf32, #tpu.memory_space<vmem>>, %arg2: memref<640x256xf32, #tpu.memory_space<vmem>>, %arg3: memref<1x256xf32, #tpu.memory_space<vmem>>, %arg4: memref<256x128xf32, #tpu.memory_space<vmem>>, %arg5: memref<1x128xf32, #tpu.memory_space<vmem>>, %arg6: memref<512x128xf32, #tpu.memory_space<vmem>>) attributes {dimension_semantics = [#tpu.dimension_semantics<arbitrary>], iteration_bounds = array<i64: 1>, scalar_prefetch = 0 : i64, scratch_operands = 0 : i64, tpu.core_type = #tpu.core_type<tc>, window_params = [{transform_indices = @transform_0, window_bounds = array<i64: 512, 640>}, {pipeline_mode = #tpu.pipeline_mode<synchronous>, transform_indices = @transform_1, window_bounds = array<i64: 640, 256>}, {pipeline_mode = #tpu.pipeline_mode<synchronous>, transform_indices = @transform_2, window_bounds = array<i64: 1, 256>}, {pipeline_mode = #tpu.pipeline_mode<synchronous>, transform_indices = @transform_3, window_bounds = array<i64: 256, 128>}, {pipeline_mode = #tpu.pipeline_mode<synchronous>, transform_indices = @transform_4, window_bounds = array<i64: 1, 128>}, {transform_indices = @transform_5, window_bounds = array<i64: 512, 128>}]} {
    %get3A = arith.constant 0 : index
    %get3A_0 = arith.constant 0 : index
    %get3A_1 = vector.load %arg1[%get3A, %get3A_0] : memref<512x640xf32, #tpu.memory_space<vmem>>, vector<512x640xf32>
    %get3A_2 = arith.constant 0 : index
    %get3A_3 = arith.constant 0 : index
    %get3A_4 = vector.load %arg2[%get3A_2, %get3A_3] : memref<640x256xf32, #tpu.memory_space<vmem>>, vector<640x256xf32>
    %get3A_5 = arith.constant 0 : index
    %get3A_6 = arith.constant 0 : index
    %get3A_7 = vector.load %arg3[%get3A_5, %get3A_6] : memref<1x256xf32, #tpu.memory_space<vmem>>, vector<1x256xf32>
    %dot_general3A = arith.constant dense<0.000000e+00> : vector<512x256xf32>
    %dot_general3A_8 = tpu.matmul %get3A_1, %get3A_4, %dot_general3A {dimension_numbers = #tpu.dot_dimension_numbers<[1], [0], [0], [1], [0, 0, 1, 1], [], []>, transpose_lhs_hint = false} : vector<512x640xf32>, vector<640x256xf32>, vector<512x256xf32> -> vector<512x256xf32>
    %add3A = vector.broadcast %get3A_7 : vector<1x256xf32> to vector<512x256xf32>
    %add3A_9 = arith.addf %dot_general3A_8, %add3A : vector<512x256xf32>
    %max3A = arith.constant 0.000000e+00 : f32
    %max3A_10 = vector.broadcast %max3A : f32 to vector<512x256xf32>
    %max3A_11 = arith.maximumf %add3A_9, %max3A_10 : vector<512x256xf32>
    %get3A_12 = arith.constant 0 : index
    %get3A_13 = arith.constant 0 : index
    %get3A_14 = vector.load %arg4[%get3A_12, %get3A_13] : memref<256x128xf32, #tpu.memory_space<vmem>>, vector<256x128xf32>
    %get3A_15 = arith.constant 0 : index
    %get3A_16 = arith.constant 0 : index
    %get3A_17 = vector.load %arg5[%get3A_15, %get3A_16] : memref<1x128xf32, #tpu.memory_space<vmem>>, vector<1x128xf32>
    %dot_general3A_18 = arith.constant dense<0.000000e+00> : vector<512x128xf32>
    %dot_general3A_19 = tpu.matmul %max3A_11, %get3A_14, %dot_general3A_18 {dimension_numbers = #tpu.dot_dimension_numbers<[1], [0], [0], [1], [0, 0, 1, 1], [], []>, transpose_lhs_hint = false} : vector<512x256xf32>, vector<256x128xf32>, vector<512x128xf32> -> vector<512x128xf32>
    %add3A_20 = vector.broadcast %get3A_17 : vector<1x128xf32> to vector<512x128xf32>
    %add3A_21 = arith.addf %dot_general3A_19, %add3A_20 : vector<512x128xf32>
    %swap3A = arith.constant 0 : index
    %swap3A_22 = arith.constant 0 : index
    %swap3A_23 = vector.load %arg6[%swap3A, %swap3A_22] : memref<512x128xf32, #tpu.memory_space<vmem>>, vector<512x128xf32>
    tpu.vector_store %arg6[%swap3A, %swap3A_22], %add3A_21 {strides = array<i32>} : memref<512x128xf32, #tpu.memory_space<vmem>>, vector<512x128xf32>,
    return
  }
  func.func @transform_0(%arg0: i32) -> (i32, i32) {
    %c0_i32 = arith.constant 0 : i32
    %c0_i32_0 = arith.constant 0 : i32
    return %arg0, %c0_i32 : i32, i32
  }
  func.func @transform_1(%arg0: i32) -> (i32, i32) {
    %c0_i32 = arith.constant 0 : i32
    %c0_i32_0 = arith.constant 0 : i32
    %c0_i32_1 = arith.constant 0 : i32
    return %c0_i32, %c0_i32_0 : i32, i32
  }
  func.func @transform_2(%arg0: i32) -> (i32, i32) {
    %c0_i32 = arith.constant 0 : i32
    %c0_i32_0 = arith.constant 0 : i32
    %c0_i32_1 = arith.constant 0 : i32
    return %c0_i32, %c0_i32_0 : i32, i32
  }
  func.func @transform_3(%arg0: i32) -> (i32, i32) {
    %c0_i32 = arith.constant 0 : i32
    %c0_i32_0 = arith.constant 0 : i32
    %c0_i32_1 = arith.constant 0 : i32
    return %c0_i32, %c0_i32_0 : i32, i32
  }
  func.func @transform_4(%arg0: i32) -> (i32, i32) {
    %c0_i32 = arith.constant 0 : i32
    %c0_i32_0 = arith.constant 0 : i32
    %c0_i32_1 = arith.constant 0 : i32
    return %c0_i32, %c0_i32_0 : i32, i32
  }
  func.func @transform_5(%arg0: i32) -> (i32, i32) {
    %c0_i32 = arith.constant 0 : i32
    %c0_i32_0 = arith.constant 0 : i32
    return %arg0, %c0_i32 : i32, i32
  }
}

module attributes {stable_mosaic.version = 14 : i64} {
  func.func @_mlp_kernel(%arg0: i32, %arg1: memref<512x640xf32, #tpu.memory_space<vmem>>, %arg2: memref<640x128xf32, #tpu.memory_space<vmem>>, %arg3: memref<1x128xf32, #tpu.memory_space<vmem>>, %arg4: memref<128x128xf32, #tpu.memory_space<vmem>>, %arg5: memref<1x128xf32, #tpu.memory_space<vmem>>, %arg6: memref<512x128xf32, #tpu.memory_space<vmem>>) attributes {dimension_semantics = [#tpu.dimension_semantics<arbitrary>], iteration_bounds = array<i64: 1>, scalar_prefetch = 0 : i64, scratch_operands = 0 : i64, tpu.core_type = #tpu.core_type<tc>, window_params = [{transform_indices = @transform_0, window_bounds = array<i64: 512, 640>}, {pipeline_mode = #tpu.pipeline_mode<synchronous>, transform_indices = @transform_1, window_bounds = array<i64: 640, 128>}, {pipeline_mode = #tpu.pipeline_mode<synchronous>, transform_indices = @transform_2, window_bounds = array<i64: 1, 128>}, {pipeline_mode = #tpu.pipeline_mode<synchronous>, transform_indices = @transform_3, window_bounds = array<i64: 128, 128>}, {pipeline_mode = #tpu.pipeline_mode<synchronous>, transform_indices = @transform_4, window_bounds = array<i64: 1, 128>}, {transform_indices = @transform_5, window_bounds = array<i64: 512, 128>}]} {
    %get3A = arith.constant 0 : index
    %get3A_0 = arith.constant 0 : index
    %get3A_1 = vector.load %arg1[%get3A, %get3A_0] : memref<512x640xf32, #tpu.memory_space<vmem>>, vector<512x640xf32>
    %get3A_2 = arith.constant 0 : index
    %get3A_3 = arith.constant 0 : index
    %get3A_4 = vector.load %arg2[%get3A_2, %get3A_3] : memref<640x128xf32, #tpu.memory_space<vmem>>, vector<640x128xf32>
    %get3A_5 = arith.constant 0 : index
    %get3A_6 = arith.constant 0 : index
    %get3A_7 = vector.load %arg3[%get3A_5, %get3A_6] : memref<1x128xf32, #tpu.memory_space<vmem>>, vector<1x128xf32>
    %dot_general3A = arith.constant dense<0.000000e+00> : vector<512x128xf32>
    %dot_general3A_8 = tpu.matmul %get3A_1, %get3A_4, %dot_general3A {dimension_numbers = #tpu.dot_dimension_numbers<[1], [0], [0], [1], [0, 0, 1, 1], [], []>, transpose_lhs_hint = false} : vector<512x640xf32>, vector<640x128xf32>, vector<512x128xf32> -> vector<512x128xf32>
    %add3A = vector.broadcast %get3A_7 : vector<1x128xf32> to vector<512x128xf32>
    %add3A_9 = arith.addf %dot_general3A_8, %add3A : vector<512x128xf32>
    %max3A = arith.constant 0.000000e+00 : f32
    %max3A_10 = vector.broadcast %max3A : f32 to vector<512x128xf32>
    %max3A_11 = arith.maximumf %add3A_9, %max3A_10 : vector<512x128xf32>
    %get3A_12 = arith.constant 0 : index
    %get3A_13 = arith.constant 0 : index
    %get3A_14 = vector.load %arg4[%get3A_12, %get3A_13] : memref<128x128xf32, #tpu.memory_space<vmem>>, vector<128x128xf32>
    %get3A_15 = arith.constant 0 : index
    %get3A_16 = arith.constant 0 : index
    %get3A_17 = vector.load %arg5[%get3A_15, %get3A_16] : memref<1x128xf32, #tpu.memory_space<vmem>>, vector<1x128xf32>
    %dot_general3A_18 = arith.constant dense<0.000000e+00> : vector<512x128xf32>
    %dot_general3A_19 = tpu.matmul %max3A_11, %get3A_14, %dot_general3A_18 {dimension_numbers = #tpu.dot_dimension_numbers<[1], [0], [0], [1], [0, 0, 1, 1], [], []>, transpose_lhs_hint = false} : vector<512x128xf32>, vector<128x128xf32>, vector<512x128xf32> -> vector<512x128xf32>
    %add3A_20 = vector.broadcast %get3A_17 : vector<1x128xf32> to vector<512x128xf32>
    %add3A_21 = arith.addf %dot_general3A_19, %add3A_20 : vector<512x128xf32>
    %swap3A = arith.constant 0 : index
    %swap3A_22 = arith.constant 0 : index
    %swap3A_23 = vector.load %arg6[%swap3A, %swap3A_22] : memref<512x128xf32, #tpu.memory_space<vmem>>, vector<512x128xf32>
    tpu.vector_store %arg6[%swap3A, %swap3A_22], %add3A_21 {strides = array<i32>} : memref<512x128xf32, #tpu.memory_space<vmem>>, vector<512x128xf32>,
    return
  }
  func.func @transform_0(%arg0: i32) -> (i32, i32) {
    %c0_i32 = arith.constant 0 : i32
    %c0_i32_0 = arith.constant 0 : i32
    return %arg0, %c0_i32 : i32, i32
  }
  func.func @transform_1(%arg0: i32) -> (i32, i32) {
    %c0_i32 = arith.constant 0 : i32
    %c0_i32_0 = arith.constant 0 : i32
    %c0_i32_1 = arith.constant 0 : i32
    return %c0_i32, %c0_i32_0 : i32, i32
  }
  func.func @transform_2(%arg0: i32) -> (i32, i32) {
    %c0_i32 = arith.constant 0 : i32
    %c0_i32_0 = arith.constant 0 : i32
    %c0_i32_1 = arith.constant 0 : i32
    return %c0_i32, %c0_i32_0 : i32, i32
  }
  func.func @transform_3(%arg0: i32) -> (i32, i32) {
    %c0_i32 = arith.constant 0 : i32
    %c0_i32_0 = arith.constant 0 : i32
    %c0_i32_1 = arith.constant 0 : i32
    return %c0_i32, %c0_i32_0 : i32, i32
  }
  func.func @transform_4(%arg0: i32) -> (i32, i32) {
    %c0_i32 = arith.constant 0 : i32
    %c0_i32_0 = arith.constant 0 : i32
    %c0_i32_1 = arith.constant 0 : i32
    return %c0_i32, %c0_i32_0 : i32, i32
  }
  func.func @transform_5(%arg0: i32) -> (i32, i32) {
    %c0_i32 = arith.constant 0 : i32
    %c0_i32_0 = arith.constant 0 : i32
    return %arg0, %c0_i32 : i32, i32
  }
}

module attributes {stable_mosaic.version = 14 : i64} {
  func.func @_mlp_kernel(%arg0: i32, %arg1: memref<512x128xf32, #tpu.memory_space<vmem>>, %arg2: memref<128x64xf32, #tpu.memory_space<vmem>>, %arg3: memref<1x64xf32, #tpu.memory_space<vmem>>, %arg4: memref<64x3xf32, #tpu.memory_space<vmem>>, %arg5: memref<1x3xf32, #tpu.memory_space<vmem>>, %arg6: memref<512x3xf32, #tpu.memory_space<vmem>>) attributes {dimension_semantics = [#tpu.dimension_semantics<arbitrary>], iteration_bounds = array<i64: 1>, scalar_prefetch = 0 : i64, scratch_operands = 0 : i64, tpu.core_type = #tpu.core_type<tc>, window_params = [{transform_indices = @transform_0, window_bounds = array<i64: 512, 128>}, {pipeline_mode = #tpu.pipeline_mode<synchronous>, transform_indices = @transform_1, window_bounds = array<i64: 128, 64>}, {pipeline_mode = #tpu.pipeline_mode<synchronous>, transform_indices = @transform_2, window_bounds = array<i64: 1, 64>}, {pipeline_mode = #tpu.pipeline_mode<synchronous>, transform_indices = @transform_3, window_bounds = array<i64: 64, 3>}, {pipeline_mode = #tpu.pipeline_mode<synchronous>, transform_indices = @transform_4, window_bounds = array<i64: 1, 3>}, {transform_indices = @transform_5, window_bounds = array<i64: 512, 3>}]} {
    %get3A = arith.constant 0 : index
    %get3A_0 = arith.constant 0 : index
    %get3A_1 = vector.load %arg1[%get3A, %get3A_0] : memref<512x128xf32, #tpu.memory_space<vmem>>, vector<512x128xf32>
    %get3A_2 = arith.constant 0 : index
    %get3A_3 = arith.constant 0 : index
    %get3A_4 = vector.load %arg2[%get3A_2, %get3A_3] : memref<128x64xf32, #tpu.memory_space<vmem>>, vector<128x64xf32>
    %get3A_5 = arith.constant 0 : index
    %get3A_6 = arith.constant 0 : index
    %get3A_7 = vector.load %arg3[%get3A_5, %get3A_6] : memref<1x64xf32, #tpu.memory_space<vmem>>, vector<1x64xf32>
    %dot_general3A = arith.constant dense<0.000000e+00> : vector<512x64xf32>
    %dot_general3A_8 = tpu.matmul %get3A_1, %get3A_4, %dot_general3A {dimension_numbers = #tpu.dot_dimension_numbers<[1], [0], [0], [1], [0, 0, 1, 1], [], []>, transpose_lhs_hint = false} : vector<512x128xf32>, vector<128x64xf32>, vector<512x64xf32> -> vector<512x64xf32>
    %add3A = vector.broadcast %get3A_7 : vector<1x64xf32> to vector<512x64xf32>
    %add3A_9 = arith.addf %dot_general3A_8, %add3A : vector<512x64xf32>
    %max3A = arith.constant 0.000000e+00 : f32
    %max3A_10 = vector.broadcast %max3A : f32 to vector<512x64xf32>
    %max3A_11 = arith.maximumf %add3A_9, %max3A_10 : vector<512x64xf32>
    %get3A_12 = arith.constant 0 : index
    %get3A_13 = arith.constant 0 : index
    %get3A_14 = vector.load %arg4[%get3A_12, %get3A_13] : memref<64x3xf32, #tpu.memory_space<vmem>>, vector<64x3xf32>
    %get3A_15 = arith.constant 0 : index
    %get3A_16 = arith.constant 0 : index
    %get3A_17 = vector.load %arg5[%get3A_15, %get3A_16] : memref<1x3xf32, #tpu.memory_space<vmem>>, vector<1x3xf32>
    %dot_general3A_18 = arith.constant dense<0.000000e+00> : vector<512x3xf32>
    %dot_general3A_19 = tpu.matmul %max3A_11, %get3A_14, %dot_general3A_18 {dimension_numbers = #tpu.dot_dimension_numbers<[1], [0], [0], [1], [0, 0, 1, 1], [], []>, transpose_lhs_hint = false} : vector<512x64xf32>, vector<64x3xf32>, vector<512x3xf32> -> vector<512x3xf32>
    %add3A_20 = vector.broadcast %get3A_17 : vector<1x3xf32> to vector<512x3xf32>
    %add3A_21 = arith.addf %dot_general3A_19, %add3A_20 : vector<512x3xf32>
    %swap3A = arith.constant 0 : index
    %swap3A_22 = arith.constant 0 : index
    %swap3A_23 = vector.load %arg6[%swap3A, %swap3A_22] : memref<512x3xf32, #tpu.memory_space<vmem>>, vector<512x3xf32>
    tpu.vector_store %arg6[%swap3A, %swap3A_22], %add3A_21 {strides = array<i32>} : memref<512x3xf32, #tpu.memory_space<vmem>>, vector<512x3xf32>,
    return
  }
  func.func @transform_0(%arg0: i32) -> (i32, i32) {
    %c0_i32 = arith.constant 0 : i32
    %c0_i32_0 = arith.constant 0 : i32
    return %arg0, %c0_i32 : i32, i32
  }
  func.func @transform_1(%arg0: i32) -> (i32, i32) {
    %c0_i32 = arith.constant 0 : i32
    %c0_i32_0 = arith.constant 0 : i32
    %c0_i32_1 = arith.constant 0 : i32
    return %c0_i32, %c0_i32_0 : i32, i32
  }
  func.func @transform_2(%arg0: i32) -> (i32, i32) {
    %c0_i32 = arith.constant 0 : i32
    %c0_i32_0 = arith.constant 0 : i32
    %c0_i32_1 = arith.constant 0 : i32
    return %c0_i32, %c0_i32_0 : i32, i32
  }
  func.func @transform_3(%arg0: i32) -> (i32, i32) {
    %c0_i32 = arith.constant 0 : i32
    %c0_i32_0 = arith.constant 0 : i32
    %c0_i32_1 = arith.constant 0 : i32
    return %c0_i32, %c0_i32_0 : i32, i32
  }
  func.func @transform_4(%arg0: i32) -> (i32, i32) {
    %c0_i32 = arith.constant 0 : i32
    %c0_i32_0 = arith.constant 0 : i32
    %c0_i32_1 = arith.constant 0 : i32
    return %c0_i32, %c0_i32_0 : i32, i32
  }
  func.func @transform_5(%arg0: i32) -> (i32, i32) {
    %c0_i32 = arith.constant 0 : i32
    %c0_i32_0 = arith.constant 0 : i32
    return %arg0, %c0_i32 : i32, i32
  }
}

module attributes {stable_mosaic.version = 14 : i64} {
  func.func @_mlp_kernel(%arg0: i32, %arg1: memref<512x576xf32, #tpu.memory_space<vmem>>, %arg2: memref<576x256xf32, #tpu.memory_space<vmem>>, %arg3: memref<1x256xf32, #tpu.memory_space<vmem>>, %arg4: memref<256x128xf32, #tpu.memory_space<vmem>>, %arg5: memref<1x128xf32, #tpu.memory_space<vmem>>, %arg6: memref<512x128xf32, #tpu.memory_space<vmem>>) attributes {dimension_semantics = [#tpu.dimension_semantics<arbitrary>], iteration_bounds = array<i64: 1>, scalar_prefetch = 0 : i64, scratch_operands = 0 : i64, tpu.core_type = #tpu.core_type<tc>, window_params = [{transform_indices = @transform_0, window_bounds = array<i64: 512, 576>}, {pipeline_mode = #tpu.pipeline_mode<synchronous>, transform_indices = @transform_1, window_bounds = array<i64: 576, 256>}, {pipeline_mode = #tpu.pipeline_mode<synchronous>, transform_indices = @transform_2, window_bounds = array<i64: 1, 256>}, {pipeline_mode = #tpu.pipeline_mode<synchronous>, transform_indices = @transform_3, window_bounds = array<i64: 256, 128>}, {pipeline_mode = #tpu.pipeline_mode<synchronous>, transform_indices = @transform_4, window_bounds = array<i64: 1, 128>}, {transform_indices = @transform_5, window_bounds = array<i64: 512, 128>}]} {
    %get3A = arith.constant 0 : index
    %get3A_0 = arith.constant 0 : index
    %get3A_1 = vector.load %arg1[%get3A, %get3A_0] : memref<512x576xf32, #tpu.memory_space<vmem>>, vector<512x576xf32>
    %get3A_2 = arith.constant 0 : index
    %get3A_3 = arith.constant 0 : index
    %get3A_4 = vector.load %arg2[%get3A_2, %get3A_3] : memref<576x256xf32, #tpu.memory_space<vmem>>, vector<576x256xf32>
    %get3A_5 = arith.constant 0 : index
    %get3A_6 = arith.constant 0 : index
    %get3A_7 = vector.load %arg3[%get3A_5, %get3A_6] : memref<1x256xf32, #tpu.memory_space<vmem>>, vector<1x256xf32>
    %dot_general3A = arith.constant dense<0.000000e+00> : vector<512x256xf32>
    %dot_general3A_8 = tpu.matmul %get3A_1, %get3A_4, %dot_general3A {dimension_numbers = #tpu.dot_dimension_numbers<[1], [0], [0], [1], [0, 0, 1, 1], [], []>, transpose_lhs_hint = false} : vector<512x576xf32>, vector<576x256xf32>, vector<512x256xf32> -> vector<512x256xf32>
    %add3A = vector.broadcast %get3A_7 : vector<1x256xf32> to vector<512x256xf32>
    %add3A_9 = arith.addf %dot_general3A_8, %add3A : vector<512x256xf32>
    %max3A = arith.constant 0.000000e+00 : f32
    %max3A_10 = vector.broadcast %max3A : f32 to vector<512x256xf32>
    %max3A_11 = arith.maximumf %add3A_9, %max3A_10 : vector<512x256xf32>
    %get3A_12 = arith.constant 0 : index
    %get3A_13 = arith.constant 0 : index
    %get3A_14 = vector.load %arg4[%get3A_12, %get3A_13] : memref<256x128xf32, #tpu.memory_space<vmem>>, vector<256x128xf32>
    %get3A_15 = arith.constant 0 : index
    %get3A_16 = arith.constant 0 : index
    %get3A_17 = vector.load %arg5[%get3A_15, %get3A_16] : memref<1x128xf32, #tpu.memory_space<vmem>>, vector<1x128xf32>
    %dot_general3A_18 = arith.constant dense<0.000000e+00> : vector<512x128xf32>
    %dot_general3A_19 = tpu.matmul %max3A_11, %get3A_14, %dot_general3A_18 {dimension_numbers = #tpu.dot_dimension_numbers<[1], [0], [0], [1], [0, 0, 1, 1], [], []>, transpose_lhs_hint = false} : vector<512x256xf32>, vector<256x128xf32>, vector<512x128xf32> -> vector<512x128xf32>
    %add3A_20 = vector.broadcast %get3A_17 : vector<1x128xf32> to vector<512x128xf32>
    %add3A_21 = arith.addf %dot_general3A_19, %add3A_20 : vector<512x128xf32>
    %swap3A = arith.constant 0 : index
    %swap3A_22 = arith.constant 0 : index
    %swap3A_23 = vector.load %arg6[%swap3A, %swap3A_22] : memref<512x128xf32, #tpu.memory_space<vmem>>, vector<512x128xf32>
    tpu.vector_store %arg6[%swap3A, %swap3A_22], %add3A_21 {strides = array<i32>} : memref<512x128xf32, #tpu.memory_space<vmem>>, vector<512x128xf32>,
    return
  }
  func.func @transform_0(%arg0: i32) -> (i32, i32) {
    %c0_i32 = arith.constant 0 : i32
    %c0_i32_0 = arith.constant 0 : i32
    return %arg0, %c0_i32 : i32, i32
  }
  func.func @transform_1(%arg0: i32) -> (i32, i32) {
    %c0_i32 = arith.constant 0 : i32
    %c0_i32_0 = arith.constant 0 : i32
    %c0_i32_1 = arith.constant 0 : i32
    return %c0_i32, %c0_i32_0 : i32, i32
  }
  func.func @transform_2(%arg0: i32) -> (i32, i32) {
    %c0_i32 = arith.constant 0 : i32
    %c0_i32_0 = arith.constant 0 : i32
    %c0_i32_1 = arith.constant 0 : i32
    return %c0_i32, %c0_i32_0 : i32, i32
  }
  func.func @transform_3(%arg0: i32) -> (i32, i32) {
    %c0_i32 = arith.constant 0 : i32
    %c0_i32_0 = arith.constant 0 : i32
    %c0_i32_1 = arith.constant 0 : i32
    return %c0_i32, %c0_i32_0 : i32, i32
  }
  func.func @transform_4(%arg0: i32) -> (i32, i32) {
    %c0_i32 = arith.constant 0 : i32
    %c0_i32_0 = arith.constant 0 : i32
    %c0_i32_1 = arith.constant 0 : i32
    return %c0_i32, %c0_i32_0 : i32, i32
  }
  func.func @transform_5(%arg0: i32) -> (i32, i32) {
    %c0_i32 = arith.constant 0 : i32
    %c0_i32_0 = arith.constant 0 : i32
    return %arg0, %c0_i32 : i32, i32
  }
}

module attributes {stable_mosaic.version = 14 : i64} {
  func.func @_mlp_kernel(%arg0: i32, %arg1: memref<512x128xf32, #tpu.memory_space<vmem>>, %arg2: memref<128x256xf32, #tpu.memory_space<vmem>>, %arg3: memref<1x256xf32, #tpu.memory_space<vmem>>, %arg4: memref<512x256xf32, #tpu.memory_space<vmem>>) attributes {dimension_semantics = [#tpu.dimension_semantics<arbitrary>], iteration_bounds = array<i64: 1>, scalar_prefetch = 0 : i64, scratch_operands = 0 : i64, tpu.core_type = #tpu.core_type<tc>, window_params = [{transform_indices = @transform_0, window_bounds = array<i64: 512, 128>}, {pipeline_mode = #tpu.pipeline_mode<synchronous>, transform_indices = @transform_1, window_bounds = array<i64: 128, 256>}, {pipeline_mode = #tpu.pipeline_mode<synchronous>, transform_indices = @transform_2, window_bounds = array<i64: 1, 256>}, {transform_indices = @transform_3, window_bounds = array<i64: 512, 256>}]} {
    %get3A = arith.constant 0 : index
    %get3A_0 = arith.constant 0 : index
    %get3A_1 = vector.load %arg1[%get3A, %get3A_0] : memref<512x128xf32, #tpu.memory_space<vmem>>, vector<512x128xf32>
    %get3A_2 = arith.constant 0 : index
    %get3A_3 = arith.constant 0 : index
    %get3A_4 = vector.load %arg2[%get3A_2, %get3A_3] : memref<128x256xf32, #tpu.memory_space<vmem>>, vector<128x256xf32>
    %get3A_5 = arith.constant 0 : index
    %get3A_6 = arith.constant 0 : index
    %get3A_7 = vector.load %arg3[%get3A_5, %get3A_6] : memref<1x256xf32, #tpu.memory_space<vmem>>, vector<1x256xf32>
    %dot_general3A = arith.constant dense<0.000000e+00> : vector<512x256xf32>
    %dot_general3A_8 = tpu.matmul %get3A_1, %get3A_4, %dot_general3A {dimension_numbers = #tpu.dot_dimension_numbers<[1], [0], [0], [1], [0, 0, 1, 1], [], []>, transpose_lhs_hint = false} : vector<512x128xf32>, vector<128x256xf32>, vector<512x256xf32> -> vector<512x256xf32>
    %add3A = vector.broadcast %get3A_7 : vector<1x256xf32> to vector<512x256xf32>
    %add3A_9 = arith.addf %dot_general3A_8, %add3A : vector<512x256xf32>
    %swap3A = arith.constant 0 : index
    %swap3A_10 = arith.constant 0 : index
    %swap3A_11 = vector.load %arg4[%swap3A, %swap3A_10] : memref<512x256xf32, #tpu.memory_space<vmem>>, vector<512x256xf32>
    tpu.vector_store %arg4[%swap3A, %swap3A_10], %add3A_9 {strides = array<i32>} : memref<512x256xf32, #tpu.memory_space<vmem>>, vector<512x256xf32>,
    return
  }
  func.func @transform_0(%arg0: i32) -> (i32, i32) {
    %c0_i32 = arith.constant 0 : i32
    %c0_i32_0 = arith.constant 0 : i32
    return %arg0, %c0_i32 : i32, i32
  }
  func.func @transform_1(%arg0: i32) -> (i32, i32) {
    %c0_i32 = arith.constant 0 : i32
    %c0_i32_0 = arith.constant 0 : i32
    %c0_i32_1 = arith.constant 0 : i32
    return %c0_i32, %c0_i32_0 : i32, i32
  }
  func.func @transform_2(%arg0: i32) -> (i32, i32) {
    %c0_i32 = arith.constant 0 : i32
    %c0_i32_0 = arith.constant 0 : i32
    %c0_i32_1 = arith.constant 0 : i32
    return %c0_i32, %c0_i32_0 : i32, i32
  }
  func.func @transform_3(%arg0: i32) -> (i32, i32) {
    %c0_i32 = arith.constant 0 : i32
    %c0_i32_0 = arith.constant 0 : i32
    return %arg0, %c0_i32 : i32, i32
  }
}

module attributes {stable_mosaic.version = 14 : i64} {
  func.func @_mlp_kernel(%arg0: i32, %arg1: memref<512x128xf32, #tpu.memory_space<vmem>>, %arg2: memref<128x64xf32, #tpu.memory_space<vmem>>, %arg3: memref<1x64xf32, #tpu.memory_space<vmem>>, %arg4: memref<64x3xf32, #tpu.memory_space<vmem>>, %arg5: memref<1x3xf32, #tpu.memory_space<vmem>>, %arg6: memref<512x3xf32, #tpu.memory_space<vmem>>) attributes {dimension_semantics = [#tpu.dimension_semantics<arbitrary>], iteration_bounds = array<i64: 2>, scalar_prefetch = 0 : i64, scratch_operands = 0 : i64, tpu.core_type = #tpu.core_type<tc>, window_params = [{transform_indices = @transform_0, window_bounds = array<i64: 512, 128>}, {pipeline_mode = #tpu.pipeline_mode<synchronous>, transform_indices = @transform_1, window_bounds = array<i64: 128, 64>}, {pipeline_mode = #tpu.pipeline_mode<synchronous>, transform_indices = @transform_2, window_bounds = array<i64: 1, 64>}, {pipeline_mode = #tpu.pipeline_mode<synchronous>, transform_indices = @transform_3, window_bounds = array<i64: 64, 3>}, {pipeline_mode = #tpu.pipeline_mode<synchronous>, transform_indices = @transform_4, window_bounds = array<i64: 1, 3>}, {transform_indices = @transform_5, window_bounds = array<i64: 512, 3>}]} {
    %get3A = arith.constant 0 : index
    %get3A_0 = arith.constant 0 : index
    %get3A_1 = vector.load %arg1[%get3A, %get3A_0] : memref<512x128xf32, #tpu.memory_space<vmem>>, vector<512x128xf32>
    %get3A_2 = arith.constant 0 : index
    %get3A_3 = arith.constant 0 : index
    %get3A_4 = vector.load %arg2[%get3A_2, %get3A_3] : memref<128x64xf32, #tpu.memory_space<vmem>>, vector<128x64xf32>
    %get3A_5 = arith.constant 0 : index
    %get3A_6 = arith.constant 0 : index
    %get3A_7 = vector.load %arg3[%get3A_5, %get3A_6] : memref<1x64xf32, #tpu.memory_space<vmem>>, vector<1x64xf32>
    %dot_general3A = arith.constant dense<0.000000e+00> : vector<512x64xf32>
    %dot_general3A_8 = tpu.matmul %get3A_1, %get3A_4, %dot_general3A {dimension_numbers = #tpu.dot_dimension_numbers<[1], [0], [0], [1], [0, 0, 1, 1], [], []>, transpose_lhs_hint = false} : vector<512x128xf32>, vector<128x64xf32>, vector<512x64xf32> -> vector<512x64xf32>
    %add3A = vector.broadcast %get3A_7 : vector<1x64xf32> to vector<512x64xf32>
    %add3A_9 = arith.addf %dot_general3A_8, %add3A : vector<512x64xf32>
    %max3A = arith.constant 0.000000e+00 : f32
    %max3A_10 = vector.broadcast %max3A : f32 to vector<512x64xf32>
    %max3A_11 = arith.maximumf %add3A_9, %max3A_10 : vector<512x64xf32>
    %get3A_12 = arith.constant 0 : index
    %get3A_13 = arith.constant 0 : index
    %get3A_14 = vector.load %arg4[%get3A_12, %get3A_13] : memref<64x3xf32, #tpu.memory_space<vmem>>, vector<64x3xf32>
    %get3A_15 = arith.constant 0 : index
    %get3A_16 = arith.constant 0 : index
    %get3A_17 = vector.load %arg5[%get3A_15, %get3A_16] : memref<1x3xf32, #tpu.memory_space<vmem>>, vector<1x3xf32>
    %dot_general3A_18 = arith.constant dense<0.000000e+00> : vector<512x3xf32>
    %dot_general3A_19 = tpu.matmul %max3A_11, %get3A_14, %dot_general3A_18 {dimension_numbers = #tpu.dot_dimension_numbers<[1], [0], [0], [1], [0, 0, 1, 1], [], []>, transpose_lhs_hint = false} : vector<512x64xf32>, vector<64x3xf32>, vector<512x3xf32> -> vector<512x3xf32>
    %add3A_20 = vector.broadcast %get3A_17 : vector<1x3xf32> to vector<512x3xf32>
    %add3A_21 = arith.addf %dot_general3A_19, %add3A_20 : vector<512x3xf32>
    %swap3A = arith.constant 0 : index
    %swap3A_22 = arith.constant 0 : index
    %swap3A_23 = vector.load %arg6[%swap3A, %swap3A_22] : memref<512x3xf32, #tpu.memory_space<vmem>>, vector<512x3xf32>
    tpu.vector_store %arg6[%swap3A, %swap3A_22], %add3A_21 {strides = array<i32>} : memref<512x3xf32, #tpu.memory_space<vmem>>, vector<512x3xf32>,
    return
  }
  func.func @transform_0(%arg0: i32) -> (i32, i32) {
    %c0_i32 = arith.constant 0 : i32
    %c0_i32_0 = arith.constant 0 : i32
    return %arg0, %c0_i32 : i32, i32
  }
  func.func @transform_1(%arg0: i32) -> (i32, i32) {
    %c0_i32 = arith.constant 0 : i32
    %c0_i32_0 = arith.constant 0 : i32
    %c0_i32_1 = arith.constant 0 : i32
    return %c0_i32, %c0_i32_0 : i32, i32
  }
  func.func @transform_2(%arg0: i32) -> (i32, i32) {
    %c0_i32 = arith.constant 0 : i32
    %c0_i32_0 = arith.constant 0 : i32
    %c0_i32_1 = arith.constant 0 : i32
    return %c0_i32, %c0_i32_0 : i32, i32
  }
  func.func @transform_3(%arg0: i32) -> (i32, i32) {
    %c0_i32 = arith.constant 0 : i32
    %c0_i32_0 = arith.constant 0 : i32
    %c0_i32_1 = arith.constant 0 : i32
    return %c0_i32, %c0_i32_0 : i32, i32
  }
  func.func @transform_4(%arg0: i32) -> (i32, i32) {
    %c0_i32 = arith.constant 0 : i32
    %c0_i32_0 = arith.constant 0 : i32
    %c0_i32_1 = arith.constant 0 : i32
    return %c0_i32, %c0_i32_0 : i32, i32
  }
  func.func @transform_5(%arg0: i32) -> (i32, i32) {
    %c0_i32 = arith.constant 0 : i32
    %c0_i32_0 = arith.constant 0 : i32
    return %arg0, %c0_i32 : i32, i32
  }
}

module attributes {stable_mosaic.version = 14 : i64} {
  func.func @_mlp_kernel(%arg0: i32, %arg1: memref<512x576xf32, #tpu.memory_space<vmem>>, %arg2: memref<576x256xf32, #tpu.memory_space<vmem>>, %arg3: memref<1x256xf32, #tpu.memory_space<vmem>>, %arg4: memref<256x128xf32, #tpu.memory_space<vmem>>, %arg5: memref<1x128xf32, #tpu.memory_space<vmem>>, %arg6: memref<512x128xf32, #tpu.memory_space<vmem>>) attributes {dimension_semantics = [#tpu.dimension_semantics<arbitrary>], iteration_bounds = array<i64: 2>, scalar_prefetch = 0 : i64, scratch_operands = 0 : i64, tpu.core_type = #tpu.core_type<tc>, window_params = [{transform_indices = @transform_0, window_bounds = array<i64: 512, 576>}, {pipeline_mode = #tpu.pipeline_mode<synchronous>, transform_indices = @transform_1, window_bounds = array<i64: 576, 256>}, {pipeline_mode = #tpu.pipeline_mode<synchronous>, transform_indices = @transform_2, window_bounds = array<i64: 1, 256>}, {pipeline_mode = #tpu.pipeline_mode<synchronous>, transform_indices = @transform_3, window_bounds = array<i64: 256, 128>}, {pipeline_mode = #tpu.pipeline_mode<synchronous>, transform_indices = @transform_4, window_bounds = array<i64: 1, 128>}, {transform_indices = @transform_5, window_bounds = array<i64: 512, 128>}]} {
    %get3A = arith.constant 0 : index
    %get3A_0 = arith.constant 0 : index
    %get3A_1 = vector.load %arg1[%get3A, %get3A_0] : memref<512x576xf32, #tpu.memory_space<vmem>>, vector<512x576xf32>
    %get3A_2 = arith.constant 0 : index
    %get3A_3 = arith.constant 0 : index
    %get3A_4 = vector.load %arg2[%get3A_2, %get3A_3] : memref<576x256xf32, #tpu.memory_space<vmem>>, vector<576x256xf32>
    %get3A_5 = arith.constant 0 : index
    %get3A_6 = arith.constant 0 : index
    %get3A_7 = vector.load %arg3[%get3A_5, %get3A_6] : memref<1x256xf32, #tpu.memory_space<vmem>>, vector<1x256xf32>
    %dot_general3A = arith.constant dense<0.000000e+00> : vector<512x256xf32>
    %dot_general3A_8 = tpu.matmul %get3A_1, %get3A_4, %dot_general3A {dimension_numbers = #tpu.dot_dimension_numbers<[1], [0], [0], [1], [0, 0, 1, 1], [], []>, transpose_lhs_hint = false} : vector<512x576xf32>, vector<576x256xf32>, vector<512x256xf32> -> vector<512x256xf32>
    %add3A = vector.broadcast %get3A_7 : vector<1x256xf32> to vector<512x256xf32>
    %add3A_9 = arith.addf %dot_general3A_8, %add3A : vector<512x256xf32>
    %max3A = arith.constant 0.000000e+00 : f32
    %max3A_10 = vector.broadcast %max3A : f32 to vector<512x256xf32>
    %max3A_11 = arith.maximumf %add3A_9, %max3A_10 : vector<512x256xf32>
    %get3A_12 = arith.constant 0 : index
    %get3A_13 = arith.constant 0 : index
    %get3A_14 = vector.load %arg4[%get3A_12, %get3A_13] : memref<256x128xf32, #tpu.memory_space<vmem>>, vector<256x128xf32>
    %get3A_15 = arith.constant 0 : index
    %get3A_16 = arith.constant 0 : index
    %get3A_17 = vector.load %arg5[%get3A_15, %get3A_16] : memref<1x128xf32, #tpu.memory_space<vmem>>, vector<1x128xf32>
    %dot_general3A_18 = arith.constant dense<0.000000e+00> : vector<512x128xf32>
    %dot_general3A_19 = tpu.matmul %max3A_11, %get3A_14, %dot_general3A_18 {dimension_numbers = #tpu.dot_dimension_numbers<[1], [0], [0], [1], [0, 0, 1, 1], [], []>, transpose_lhs_hint = false} : vector<512x256xf32>, vector<256x128xf32>, vector<512x128xf32> -> vector<512x128xf32>
    %add3A_20 = vector.broadcast %get3A_17 : vector<1x128xf32> to vector<512x128xf32>
    %add3A_21 = arith.addf %dot_general3A_19, %add3A_20 : vector<512x128xf32>
    %swap3A = arith.constant 0 : index
    %swap3A_22 = arith.constant 0 : index
    %swap3A_23 = vector.load %arg6[%swap3A, %swap3A_22] : memref<512x128xf32, #tpu.memory_space<vmem>>, vector<512x128xf32>
    tpu.vector_store %arg6[%swap3A, %swap3A_22], %add3A_21 {strides = array<i32>} : memref<512x128xf32, #tpu.memory_space<vmem>>, vector<512x128xf32>,
    return
  }
  func.func @transform_0(%arg0: i32) -> (i32, i32) {
    %c0_i32 = arith.constant 0 : i32
    %c0_i32_0 = arith.constant 0 : i32
    return %arg0, %c0_i32 : i32, i32
  }
  func.func @transform_1(%arg0: i32) -> (i32, i32) {
    %c0_i32 = arith.constant 0 : i32
    %c0_i32_0 = arith.constant 0 : i32
    %c0_i32_1 = arith.constant 0 : i32
    return %c0_i32, %c0_i32_0 : i32, i32
  }
  func.func @transform_2(%arg0: i32) -> (i32, i32) {
    %c0_i32 = arith.constant 0 : i32
    %c0_i32_0 = arith.constant 0 : i32
    %c0_i32_1 = arith.constant 0 : i32
    return %c0_i32, %c0_i32_0 : i32, i32
  }
  func.func @transform_3(%arg0: i32) -> (i32, i32) {
    %c0_i32 = arith.constant 0 : i32
    %c0_i32_0 = arith.constant 0 : i32
    %c0_i32_1 = arith.constant 0 : i32
    return %c0_i32, %c0_i32_0 : i32, i32
  }
  func.func @transform_4(%arg0: i32) -> (i32, i32) {
    %c0_i32 = arith.constant 0 : i32
    %c0_i32_0 = arith.constant 0 : i32
    %c0_i32_1 = arith.constant 0 : i32
    return %c0_i32, %c0_i32_0 : i32, i32
  }
  func.func @transform_5(%arg0: i32) -> (i32, i32) {
    %c0_i32 = arith.constant 0 : i32
    %c0_i32_0 = arith.constant 0 : i32
    return %arg0, %c0_i32 : i32, i32
  }
}

module attributes {stable_mosaic.version = 14 : i64} {
  func.func @_mlp_kernel(%arg0: i32, %arg1: memref<512x128xf32, #tpu.memory_space<vmem>>, %arg2: memref<128x512xf32, #tpu.memory_space<vmem>>, %arg3: memref<1x512xf32, #tpu.memory_space<vmem>>, %arg4: memref<512x512xf32, #tpu.memory_space<vmem>>) attributes {dimension_semantics = [#tpu.dimension_semantics<arbitrary>], iteration_bounds = array<i64: 2>, scalar_prefetch = 0 : i64, scratch_operands = 0 : i64, tpu.core_type = #tpu.core_type<tc>, window_params = [{transform_indices = @transform_0, window_bounds = array<i64: 512, 128>}, {pipeline_mode = #tpu.pipeline_mode<synchronous>, transform_indices = @transform_1, window_bounds = array<i64: 128, 512>}, {pipeline_mode = #tpu.pipeline_mode<synchronous>, transform_indices = @transform_2, window_bounds = array<i64: 1, 512>}, {transform_indices = @transform_3, window_bounds = array<i64: 512, 512>}]} {
    %get3A = arith.constant 0 : index
    %get3A_0 = arith.constant 0 : index
    %get3A_1 = vector.load %arg1[%get3A, %get3A_0] : memref<512x128xf32, #tpu.memory_space<vmem>>, vector<512x128xf32>
    %get3A_2 = arith.constant 0 : index
    %get3A_3 = arith.constant 0 : index
    %get3A_4 = vector.load %arg2[%get3A_2, %get3A_3] : memref<128x512xf32, #tpu.memory_space<vmem>>, vector<128x512xf32>
    %get3A_5 = arith.constant 0 : index
    %get3A_6 = arith.constant 0 : index
    %get3A_7 = vector.load %arg3[%get3A_5, %get3A_6] : memref<1x512xf32, #tpu.memory_space<vmem>>, vector<1x512xf32>
    %dot_general3A = arith.constant dense<0.000000e+00> : vector<512x512xf32>
    %dot_general3A_8 = tpu.matmul %get3A_1, %get3A_4, %dot_general3A {dimension_numbers = #tpu.dot_dimension_numbers<[1], [0], [0], [1], [0, 0, 1, 1], [], []>, transpose_lhs_hint = false} : vector<512x128xf32>, vector<128x512xf32>, vector<512x512xf32> -> vector<512x512xf32>
    %add3A = vector.broadcast %get3A_7 : vector<1x512xf32> to vector<512x512xf32>
    %add3A_9 = arith.addf %dot_general3A_8, %add3A : vector<512x512xf32>
    %swap3A = arith.constant 0 : index
    %swap3A_10 = arith.constant 0 : index
    %swap3A_11 = vector.load %arg4[%swap3A, %swap3A_10] : memref<512x512xf32, #tpu.memory_space<vmem>>, vector<512x512xf32>
    tpu.vector_store %arg4[%swap3A, %swap3A_10], %add3A_9 {strides = array<i32>} : memref<512x512xf32, #tpu.memory_space<vmem>>, vector<512x512xf32>,
    return
  }
  func.func @transform_0(%arg0: i32) -> (i32, i32) {
    %c0_i32 = arith.constant 0 : i32
    %c0_i32_0 = arith.constant 0 : i32
    return %arg0, %c0_i32 : i32, i32
  }
  func.func @transform_1(%arg0: i32) -> (i32, i32) {
    %c0_i32 = arith.constant 0 : i32
    %c0_i32_0 = arith.constant 0 : i32
    %c0_i32_1 = arith.constant 0 : i32
    return %c0_i32, %c0_i32_0 : i32, i32
  }
  func.func @transform_2(%arg0: i32) -> (i32, i32) {
    %c0_i32 = arith.constant 0 : i32
    %c0_i32_0 = arith.constant 0 : i32
    %c0_i32_1 = arith.constant 0 : i32
    return %c0_i32, %c0_i32_0 : i32, i32
  }
  func.func @transform_3(%arg0: i32) -> (i32, i32) {
    %c0_i32 = arith.constant 0 : i32
    %c0_i32_0 = arith.constant 0 : i32
    return %arg0, %c0_i32 : i32, i32
  }
}

module attributes {stable_mosaic.version = 14 : i64} {
  func.func @_mlp_kernel(%arg0: i32, %arg1: memref<512x128xf32, #tpu.memory_space<vmem>>, %arg2: memref<128x64xf32, #tpu.memory_space<vmem>>, %arg3: memref<1x64xf32, #tpu.memory_space<vmem>>, %arg4: memref<64x3xf32, #tpu.memory_space<vmem>>, %arg5: memref<1x3xf32, #tpu.memory_space<vmem>>, %arg6: memref<512x3xf32, #tpu.memory_space<vmem>>) attributes {dimension_semantics = [#tpu.dimension_semantics<arbitrary>], iteration_bounds = array<i64: 8>, scalar_prefetch = 0 : i64, scratch_operands = 0 : i64, tpu.core_type = #tpu.core_type<tc>, window_params = [{transform_indices = @transform_0, window_bounds = array<i64: 512, 128>}, {pipeline_mode = #tpu.pipeline_mode<synchronous>, transform_indices = @transform_1, window_bounds = array<i64: 128, 64>}, {pipeline_mode = #tpu.pipeline_mode<synchronous>, transform_indices = @transform_2, window_bounds = array<i64: 1, 64>}, {pipeline_mode = #tpu.pipeline_mode<synchronous>, transform_indices = @transform_3, window_bounds = array<i64: 64, 3>}, {pipeline_mode = #tpu.pipeline_mode<synchronous>, transform_indices = @transform_4, window_bounds = array<i64: 1, 3>}, {transform_indices = @transform_5, window_bounds = array<i64: 512, 3>}]} {
    %get3A = arith.constant 0 : index
    %get3A_0 = arith.constant 0 : index
    %get3A_1 = vector.load %arg1[%get3A, %get3A_0] : memref<512x128xf32, #tpu.memory_space<vmem>>, vector<512x128xf32>
    %get3A_2 = arith.constant 0 : index
    %get3A_3 = arith.constant 0 : index
    %get3A_4 = vector.load %arg2[%get3A_2, %get3A_3] : memref<128x64xf32, #tpu.memory_space<vmem>>, vector<128x64xf32>
    %get3A_5 = arith.constant 0 : index
    %get3A_6 = arith.constant 0 : index
    %get3A_7 = vector.load %arg3[%get3A_5, %get3A_6] : memref<1x64xf32, #tpu.memory_space<vmem>>, vector<1x64xf32>
    %dot_general3A = arith.constant dense<0.000000e+00> : vector<512x64xf32>
    %dot_general3A_8 = tpu.matmul %get3A_1, %get3A_4, %dot_general3A {dimension_numbers = #tpu.dot_dimension_numbers<[1], [0], [0], [1], [0, 0, 1, 1], [], []>, transpose_lhs_hint = false} : vector<512x128xf32>, vector<128x64xf32>, vector<512x64xf32> -> vector<512x64xf32>
    %add3A = vector.broadcast %get3A_7 : vector<1x64xf32> to vector<512x64xf32>
    %add3A_9 = arith.addf %dot_general3A_8, %add3A : vector<512x64xf32>
    %max3A = arith.constant 0.000000e+00 : f32
    %max3A_10 = vector.broadcast %max3A : f32 to vector<512x64xf32>
    %max3A_11 = arith.maximumf %add3A_9, %max3A_10 : vector<512x64xf32>
    %get3A_12 = arith.constant 0 : index
    %get3A_13 = arith.constant 0 : index
    %get3A_14 = vector.load %arg4[%get3A_12, %get3A_13] : memref<64x3xf32, #tpu.memory_space<vmem>>, vector<64x3xf32>
    %get3A_15 = arith.constant 0 : index
    %get3A_16 = arith.constant 0 : index
    %get3A_17 = vector.load %arg5[%get3A_15, %get3A_16] : memref<1x3xf32, #tpu.memory_space<vmem>>, vector<1x3xf32>
    %dot_general3A_18 = arith.constant dense<0.000000e+00> : vector<512x3xf32>
    %dot_general3A_19 = tpu.matmul %max3A_11, %get3A_14, %dot_general3A_18 {dimension_numbers = #tpu.dot_dimension_numbers<[1], [0], [0], [1], [0, 0, 1, 1], [], []>, transpose_lhs_hint = false} : vector<512x64xf32>, vector<64x3xf32>, vector<512x3xf32> -> vector<512x3xf32>
    %add3A_20 = vector.broadcast %get3A_17 : vector<1x3xf32> to vector<512x3xf32>
    %add3A_21 = arith.addf %dot_general3A_19, %add3A_20 : vector<512x3xf32>
    %swap3A = arith.constant 0 : index
    %swap3A_22 = arith.constant 0 : index
    %swap3A_23 = vector.load %arg6[%swap3A, %swap3A_22] : memref<512x3xf32, #tpu.memory_space<vmem>>, vector<512x3xf32>
    tpu.vector_store %arg6[%swap3A, %swap3A_22], %add3A_21 {strides = array<i32>} : memref<512x3xf32, #tpu.memory_space<vmem>>, vector<512x3xf32>,
    return
  }
  func.func @transform_0(%arg0: i32) -> (i32, i32) {
    %c0_i32 = arith.constant 0 : i32
    %c0_i32_0 = arith.constant 0 : i32
    return %arg0, %c0_i32 : i32, i32
  }
  func.func @transform_1(%arg0: i32) -> (i32, i32) {
    %c0_i32 = arith.constant 0 : i32
    %c0_i32_0 = arith.constant 0 : i32
    %c0_i32_1 = arith.constant 0 : i32
    return %c0_i32, %c0_i32_0 : i32, i32
  }
  func.func @transform_2(%arg0: i32) -> (i32, i32) {
    %c0_i32 = arith.constant 0 : i32
    %c0_i32_0 = arith.constant 0 : i32
    %c0_i32_1 = arith.constant 0 : i32
    return %c0_i32, %c0_i32_0 : i32, i32
  }
  func.func @transform_3(%arg0: i32) -> (i32, i32) {
    %c0_i32 = arith.constant 0 : i32
    %c0_i32_0 = arith.constant 0 : i32
    %c0_i32_1 = arith.constant 0 : i32
    return %c0_i32, %c0_i32_0 : i32, i32
  }
  func.func @transform_4(%arg0: i32) -> (i32, i32) {
    %c0_i32 = arith.constant 0 : i32
    %c0_i32_0 = arith.constant 0 : i32
    %c0_i32_1 = arith.constant 0 : i32
    return %c0_i32, %c0_i32_0 : i32, i32
  }
  func.func @transform_5(%arg0: i32) -> (i32, i32) {
    %c0_i32 = arith.constant 0 : i32
    %c0_i32_0 = arith.constant 0 : i32
    return %arg0, %c0_i32 : i32, i32
  }
}

module attributes {stable_mosaic.version = 14 : i64} {
  func.func @_mlp_kernel(%arg0: i32, %arg1: memref<512x576xf32, #tpu.memory_space<vmem>>, %arg2: memref<576x256xf32, #tpu.memory_space<vmem>>, %arg3: memref<1x256xf32, #tpu.memory_space<vmem>>, %arg4: memref<256x128xf32, #tpu.memory_space<vmem>>, %arg5: memref<1x128xf32, #tpu.memory_space<vmem>>, %arg6: memref<512x128xf32, #tpu.memory_space<vmem>>) attributes {dimension_semantics = [#tpu.dimension_semantics<arbitrary>], iteration_bounds = array<i64: 8>, scalar_prefetch = 0 : i64, scratch_operands = 0 : i64, tpu.core_type = #tpu.core_type<tc>, window_params = [{transform_indices = @transform_0, window_bounds = array<i64: 512, 576>}, {pipeline_mode = #tpu.pipeline_mode<synchronous>, transform_indices = @transform_1, window_bounds = array<i64: 576, 256>}, {pipeline_mode = #tpu.pipeline_mode<synchronous>, transform_indices = @transform_2, window_bounds = array<i64: 1, 256>}, {pipeline_mode = #tpu.pipeline_mode<synchronous>, transform_indices = @transform_3, window_bounds = array<i64: 256, 128>}, {pipeline_mode = #tpu.pipeline_mode<synchronous>, transform_indices = @transform_4, window_bounds = array<i64: 1, 128>}, {transform_indices = @transform_5, window_bounds = array<i64: 512, 128>}]} {
    %get3A = arith.constant 0 : index
    %get3A_0 = arith.constant 0 : index
    %get3A_1 = vector.load %arg1[%get3A, %get3A_0] : memref<512x576xf32, #tpu.memory_space<vmem>>, vector<512x576xf32>
    %get3A_2 = arith.constant 0 : index
    %get3A_3 = arith.constant 0 : index
    %get3A_4 = vector.load %arg2[%get3A_2, %get3A_3] : memref<576x256xf32, #tpu.memory_space<vmem>>, vector<576x256xf32>
    %get3A_5 = arith.constant 0 : index
    %get3A_6 = arith.constant 0 : index
    %get3A_7 = vector.load %arg3[%get3A_5, %get3A_6] : memref<1x256xf32, #tpu.memory_space<vmem>>, vector<1x256xf32>
    %dot_general3A = arith.constant dense<0.000000e+00> : vector<512x256xf32>
    %dot_general3A_8 = tpu.matmul %get3A_1, %get3A_4, %dot_general3A {dimension_numbers = #tpu.dot_dimension_numbers<[1], [0], [0], [1], [0, 0, 1, 1], [], []>, transpose_lhs_hint = false} : vector<512x576xf32>, vector<576x256xf32>, vector<512x256xf32> -> vector<512x256xf32>
    %add3A = vector.broadcast %get3A_7 : vector<1x256xf32> to vector<512x256xf32>
    %add3A_9 = arith.addf %dot_general3A_8, %add3A : vector<512x256xf32>
    %max3A = arith.constant 0.000000e+00 : f32
    %max3A_10 = vector.broadcast %max3A : f32 to vector<512x256xf32>
    %max3A_11 = arith.maximumf %add3A_9, %max3A_10 : vector<512x256xf32>
    %get3A_12 = arith.constant 0 : index
    %get3A_13 = arith.constant 0 : index
    %get3A_14 = vector.load %arg4[%get3A_12, %get3A_13] : memref<256x128xf32, #tpu.memory_space<vmem>>, vector<256x128xf32>
    %get3A_15 = arith.constant 0 : index
    %get3A_16 = arith.constant 0 : index
    %get3A_17 = vector.load %arg5[%get3A_15, %get3A_16] : memref<1x128xf32, #tpu.memory_space<vmem>>, vector<1x128xf32>
    %dot_general3A_18 = arith.constant dense<0.000000e+00> : vector<512x128xf32>
    %dot_general3A_19 = tpu.matmul %max3A_11, %get3A_14, %dot_general3A_18 {dimension_numbers = #tpu.dot_dimension_numbers<[1], [0], [0], [1], [0, 0, 1, 1], [], []>, transpose_lhs_hint = false} : vector<512x256xf32>, vector<256x128xf32>, vector<512x128xf32> -> vector<512x128xf32>
    %add3A_20 = vector.broadcast %get3A_17 : vector<1x128xf32> to vector<512x128xf32>
    %add3A_21 = arith.addf %dot_general3A_19, %add3A_20 : vector<512x128xf32>
    %swap3A = arith.constant 0 : index
    %swap3A_22 = arith.constant 0 : index
    %swap3A_23 = vector.load %arg6[%swap3A, %swap3A_22] : memref<512x128xf32, #tpu.memory_space<vmem>>, vector<512x128xf32>
    tpu.vector_store %arg6[%swap3A, %swap3A_22], %add3A_21 {strides = array<i32>} : memref<512x128xf32, #tpu.memory_space<vmem>>, vector<512x128xf32>,
    return
  }
  func.func @transform_0(%arg0: i32) -> (i32, i32) {
    %c0_i32 = arith.constant 0 : i32
    %c0_i32_0 = arith.constant 0 : i32
    return %arg0, %c0_i32 : i32, i32
  }
  func.func @transform_1(%arg0: i32) -> (i32, i32) {
    %c0_i32 = arith.constant 0 : i32
    %c0_i32_0 = arith.constant 0 : i32
    %c0_i32_1 = arith.constant 0 : i32
    return %c0_i32, %c0_i32_0 : i32, i32
  }
  func.func @transform_2(%arg0: i32) -> (i32, i32) {
    %c0_i32 = arith.constant 0 : i32
    %c0_i32_0 = arith.constant 0 : i32
    %c0_i32_1 = arith.constant 0 : i32
    return %c0_i32, %c0_i32_0 : i32, i32
  }
  func.func @transform_3(%arg0: i32) -> (i32, i32) {
    %c0_i32 = arith.constant 0 : i32
    %c0_i32_0 = arith.constant 0 : i32
    %c0_i32_1 = arith.constant 0 : i32
    return %c0_i32, %c0_i32_0 : i32, i32
  }
  func.func @transform_4(%arg0: i32) -> (i32, i32) {
    %c0_i32 = arith.constant 0 : i32
    %c0_i32_0 = arith.constant 0 : i32
    %c0_i32_1 = arith.constant 0 : i32
    return %c0_i32, %c0_i32_0 : i32, i32
  }
  func.func @transform_5(%arg0: i32) -> (i32, i32) {
    %c0_i32 = arith.constant 0 : i32
    %c0_i32_0 = arith.constant 0 : i32
    return %arg0, %c0_i32 : i32, i32
  }
}

module attributes {stable_mosaic.version = 14 : i64} {
  func.func @_mlp_kernel(%arg0: i32, %arg1: memref<512x128xf32, #tpu.memory_space<vmem>>, %arg2: memref<128x512xf32, #tpu.memory_space<vmem>>, %arg3: memref<1x512xf32, #tpu.memory_space<vmem>>, %arg4: memref<512x512xf32, #tpu.memory_space<vmem>>) attributes {dimension_semantics = [#tpu.dimension_semantics<arbitrary>], iteration_bounds = array<i64: 8>, scalar_prefetch = 0 : i64, scratch_operands = 0 : i64, tpu.core_type = #tpu.core_type<tc>, window_params = [{transform_indices = @transform_0, window_bounds = array<i64: 512, 128>}, {pipeline_mode = #tpu.pipeline_mode<synchronous>, transform_indices = @transform_1, window_bounds = array<i64: 128, 512>}, {pipeline_mode = #tpu.pipeline_mode<synchronous>, transform_indices = @transform_2, window_bounds = array<i64: 1, 512>}, {transform_indices = @transform_3, window_bounds = array<i64: 512, 512>}]} {
    %get3A = arith.constant 0 : index
    %get3A_0 = arith.constant 0 : index
    %get3A_1 = vector.load %arg1[%get3A, %get3A_0] : memref<512x128xf32, #tpu.memory_space<vmem>>, vector<512x128xf32>
    %get3A_2 = arith.constant 0 : index
    %get3A_3 = arith.constant 0 : index
    %get3A_4 = vector.load %arg2[%get3A_2, %get3A_3] : memref<128x512xf32, #tpu.memory_space<vmem>>, vector<128x512xf32>
    %get3A_5 = arith.constant 0 : index
    %get3A_6 = arith.constant 0 : index
    %get3A_7 = vector.load %arg3[%get3A_5, %get3A_6] : memref<1x512xf32, #tpu.memory_space<vmem>>, vector<1x512xf32>
    %dot_general3A = arith.constant dense<0.000000e+00> : vector<512x512xf32>
    %dot_general3A_8 = tpu.matmul %get3A_1, %get3A_4, %dot_general3A {dimension_numbers = #tpu.dot_dimension_numbers<[1], [0], [0], [1], [0, 0, 1, 1], [], []>, transpose_lhs_hint = false} : vector<512x128xf32>, vector<128x512xf32>, vector<512x512xf32> -> vector<512x512xf32>
    %add3A = vector.broadcast %get3A_7 : vector<1x512xf32> to vector<512x512xf32>
    %add3A_9 = arith.addf %dot_general3A_8, %add3A : vector<512x512xf32>
    %swap3A = arith.constant 0 : index
    %swap3A_10 = arith.constant 0 : index
    %swap3A_11 = vector.load %arg4[%swap3A, %swap3A_10] : memref<512x512xf32, #tpu.memory_space<vmem>>, vector<512x512xf32>
    tpu.vector_store %arg4[%swap3A, %swap3A_10], %add3A_9 {strides = array<i32>} : memref<512x512xf32, #tpu.memory_space<vmem>>, vector<512x512xf32>,
    return
  }
  func.func @transform_0(%arg0: i32) -> (i32, i32) {
    %c0_i32 = arith.constant 0 : i32
    %c0_i32_0 = arith.constant 0 : i32
    return %arg0, %c0_i32 : i32, i32
  }
  func.func @transform_1(%arg0: i32) -> (i32, i32) {
    %c0_i32 = arith.constant 0 : i32
    %c0_i32_0 = arith.constant 0 : i32
    %c0_i32_1 = arith.constant 0 : i32
    return %c0_i32, %c0_i32_0 : i32, i32
  }
  func.func @transform_2(%arg0: i32) -> (i32, i32) {
    %c0_i32 = arith.constant 0 : i32
    %c0_i32_0 = arith.constant 0 : i32
    %c0_i32_1 = arith.constant 0 : i32
    return %c0_i32, %c0_i32_0 : i32, i32
  }
  func.func @transform_3(%arg0: i32) -> (i32, i32) {
    %c0_i32 = arith.constant 0 : i32
    %c0_i32_0 = arith.constant 0 : i32
    return %arg0, %c0_i32 : i32, i32
  }
}

module attributes {stable_mosaic.version = 14 : i64} {
  func.func @_mlp_kernel(%arg0: i32, %arg1: memref<512x128xf32, #tpu.memory_space<vmem>>, %arg2: memref<128x64xf32, #tpu.memory_space<vmem>>, %arg3: memref<1x64xf32, #tpu.memory_space<vmem>>, %arg4: memref<64x3xf32, #tpu.memory_space<vmem>>, %arg5: memref<1x3xf32, #tpu.memory_space<vmem>>, %arg6: memref<512x3xf32, #tpu.memory_space<vmem>>) attributes {dimension_semantics = [#tpu.dimension_semantics<arbitrary>], iteration_bounds = array<i64: 32>, scalar_prefetch = 0 : i64, scratch_operands = 0 : i64, tpu.core_type = #tpu.core_type<tc>, window_params = [{transform_indices = @transform_0, window_bounds = array<i64: 512, 128>}, {pipeline_mode = #tpu.pipeline_mode<synchronous>, transform_indices = @transform_1, window_bounds = array<i64: 128, 64>}, {pipeline_mode = #tpu.pipeline_mode<synchronous>, transform_indices = @transform_2, window_bounds = array<i64: 1, 64>}, {pipeline_mode = #tpu.pipeline_mode<synchronous>, transform_indices = @transform_3, window_bounds = array<i64: 64, 3>}, {pipeline_mode = #tpu.pipeline_mode<synchronous>, transform_indices = @transform_4, window_bounds = array<i64: 1, 3>}, {transform_indices = @transform_5, window_bounds = array<i64: 512, 3>}]} {
    %get3A = arith.constant 0 : index
    %get3A_0 = arith.constant 0 : index
    %get3A_1 = vector.load %arg1[%get3A, %get3A_0] : memref<512x128xf32, #tpu.memory_space<vmem>>, vector<512x128xf32>
    %get3A_2 = arith.constant 0 : index
    %get3A_3 = arith.constant 0 : index
    %get3A_4 = vector.load %arg2[%get3A_2, %get3A_3] : memref<128x64xf32, #tpu.memory_space<vmem>>, vector<128x64xf32>
    %get3A_5 = arith.constant 0 : index
    %get3A_6 = arith.constant 0 : index
    %get3A_7 = vector.load %arg3[%get3A_5, %get3A_6] : memref<1x64xf32, #tpu.memory_space<vmem>>, vector<1x64xf32>
    %dot_general3A = arith.constant dense<0.000000e+00> : vector<512x64xf32>
    %dot_general3A_8 = tpu.matmul %get3A_1, %get3A_4, %dot_general3A {dimension_numbers = #tpu.dot_dimension_numbers<[1], [0], [0], [1], [0, 0, 1, 1], [], []>, transpose_lhs_hint = false} : vector<512x128xf32>, vector<128x64xf32>, vector<512x64xf32> -> vector<512x64xf32>
    %add3A = vector.broadcast %get3A_7 : vector<1x64xf32> to vector<512x64xf32>
    %add3A_9 = arith.addf %dot_general3A_8, %add3A : vector<512x64xf32>
    %max3A = arith.constant 0.000000e+00 : f32
    %max3A_10 = vector.broadcast %max3A : f32 to vector<512x64xf32>
    %max3A_11 = arith.maximumf %add3A_9, %max3A_10 : vector<512x64xf32>
    %get3A_12 = arith.constant 0 : index
    %get3A_13 = arith.constant 0 : index
    %get3A_14 = vector.load %arg4[%get3A_12, %get3A_13] : memref<64x3xf32, #tpu.memory_space<vmem>>, vector<64x3xf32>
    %get3A_15 = arith.constant 0 : index
    %get3A_16 = arith.constant 0 : index
    %get3A_17 = vector.load %arg5[%get3A_15, %get3A_16] : memref<1x3xf32, #tpu.memory_space<vmem>>, vector<1x3xf32>
    %dot_general3A_18 = arith.constant dense<0.000000e+00> : vector<512x3xf32>
    %dot_general3A_19 = tpu.matmul %max3A_11, %get3A_14, %dot_general3A_18 {dimension_numbers = #tpu.dot_dimension_numbers<[1], [0], [0], [1], [0, 0, 1, 1], [], []>, transpose_lhs_hint = false} : vector<512x64xf32>, vector<64x3xf32>, vector<512x3xf32> -> vector<512x3xf32>
    %add3A_20 = vector.broadcast %get3A_17 : vector<1x3xf32> to vector<512x3xf32>
    %add3A_21 = arith.addf %dot_general3A_19, %add3A_20 : vector<512x3xf32>
    %swap3A = arith.constant 0 : index
    %swap3A_22 = arith.constant 0 : index
    %swap3A_23 = vector.load %arg6[%swap3A, %swap3A_22] : memref<512x3xf32, #tpu.memory_space<vmem>>, vector<512x3xf32>
    tpu.vector_store %arg6[%swap3A, %swap3A_22], %add3A_21 {strides = array<i32>} : memref<512x3xf32, #tpu.memory_space<vmem>>, vector<512x3xf32>,
    return
  }
  func.func @transform_0(%arg0: i32) -> (i32, i32) {
    %c0_i32 = arith.constant 0 : i32
    %c0_i32_0 = arith.constant 0 : i32
    return %arg0, %c0_i32 : i32, i32
  }
  func.func @transform_1(%arg0: i32) -> (i32, i32) {
    %c0_i32 = arith.constant 0 : i32
    %c0_i32_0 = arith.constant 0 : i32
    %c0_i32_1 = arith.constant 0 : i32
    return %c0_i32, %c0_i32_0 : i32, i32
  }
  func.func @transform_2(%arg0: i32) -> (i32, i32) {
    %c0_i32 = arith.constant 0 : i32
    %c0_i32_0 = arith.constant 0 : i32
    %c0_i32_1 = arith.constant 0 : i32
    return %c0_i32, %c0_i32_0 : i32, i32
  }
  func.func @transform_3(%arg0: i32) -> (i32, i32) {
    %c0_i32 = arith.constant 0 : i32
    %c0_i32_0 = arith.constant 0 : i32
    %c0_i32_1 = arith.constant 0 : i32
    return %c0_i32, %c0_i32_0 : i32, i32
  }
  func.func @transform_4(%arg0: i32) -> (i32, i32) {
    %c0_i32 = arith.constant 0 : i32
    %c0_i32_0 = arith.constant 0 : i32
    %c0_i32_1 = arith.constant 0 : i32
    return %c0_i32, %c0_i32_0 : i32, i32
  }
  func.func @transform_5(%arg0: i32) -> (i32, i32) {
    %c0_i32 = arith.constant 0 : i32
    %c0_i32_0 = arith.constant 0 : i32
    return %arg0, %c0_i32 : i32, i32
  }
}

</mosaic_0001>

<sc_bundles>
// kernel: gather_offload_async_start
scs
__scs_entry_jumppad:
0x0: {  	(pc) =	sbr.rel $0x88, $3  }
0x1: {  	(tag) =	ssettag $0x0;
	lr =	simm.s32 $0x1  }
0x2: {  	[smem:$0x3F5E] =	sst lr;
	_ =	strace $0xD0000000  }
0x3: {  	_ = 	snop  }
0x4: {  	_ = 	snop  }
0x5: {  	_ = 	snop  }
0x6: {  	_ = 	snop  }
0x7: {  	_ = 	snop  }
__scs_overlays_trampoline_lowered:
0x8: {  	[smem:$0x3F6D] =	sst s0  }
0x9: {  	[smem:$0x3F6E] =	sst s1  }
0xa: {  	[smem:$0x3F6F] =	sst s2  }
0xb: {  	[smem:$0x3F70] =	sst s3  }
0xc: {  	[smem:$0x3F71] =	sst s4  }
0xd: {  	[smem:$0x3F72] =	sst s5  }
0xe: {  	[smem:$0x3F73] =	sst s6  }
0xf: {  	[smem:$0x3F74] =	sst s7  }
0x10: {  	[smem:$0x3F75] =	sst s8  }
0x11: {  	[smem:$0x3F76] =	sst s9;
	s0 =	simm.s32 @!p0 $0x0  }
0x12: {  	s1 =	sld [smem:$0x3F5C];
	s0 =	simm.s32 @p0 $0x1  }
0x13: {  	[smem:$0x3F77] =	sst s0;
	s0 =	simm.s32 @!p1 $0x0  }
0x14: {  	s2 =	sld [smem:$0x3F5B];
	s0 =	simm.s32 @p1 $0x1  }
0x15: {  	[smem:$0x3F78] =	sst s0;
	s0 =	simm.s32 @!p2 $0x0  }
0x16: {  	s3 =	sld [smem:$0x3FDB];
	s0 =	simm.s32 @p2 $0x1  }
0x17: {  	s4 =	simm.s32 $0x1BF5;
	[smem:$0x3F7A] =	sst s0  }
0x18: {  	s0 =	sld [smem:$0x3F5D];
	_ =	swait.ge [sflag:s4], $0x0  }
0x19: {  	s7 =	sld [smem:$0x3F5E]  }
0x1a: {  	s8 =	sadd.s32 $0xFFFFE003, lr  }
0x1b: {  	s9 =	sadd.s32 $0xFFFFFEF7, lr;
	s5 =	simm.s32 $0xFFFFFFFF;
	p2 =	slt.u32 s8, $0xFFFFF086  }
0x1c: {  	p1 =	slt.u32 s9, $0xF7A;
	s5 =	simm.s32 @!p2 $0x0  }
0x1d: {  	s5 =	simm.s32 @p1 $0x1;
	p0 =	seq.s32 s7, s2  }
0x1e: {  	s7 =	smul.u32 @!p0 $0xF7A, s2;
	p2 =	seq.s32 @!p0 s5, $0x0  }
0x1f: {  	s9 =	smul.u32 $0xF7A, s1;
	s8 =	simm.s32 @!p0 $0x1BF5;
	p2 =	por !p2, p0  }
0x20: {  	[sflag:s8] =	ssyncset.s32 @!p0 $0xFFFFF086;
	s6 =	sadd.s32 @!p0 s3, s7;
	s7 =	simm.s32 @!p0 $0x108  }
0x21: {  	s3 =	sadd.s32 s3, s9;
	s6 =	sadd.s32 @!p0 $0x88, s6;
	s7 =	simm.s32 @p2 $0x1082  }
0x22: {  	[simem:s7], [sflag:s8] =	dma.local @!p0 [hbm:s6], $0xF7A  }
0x23: {  	s9 =	sor.u32 $0xD0000000, s2;
	s6 =	simm.s32 $0x108;
	_ =	swait.ge @!p0 [sflag:s8], $0x0  }
0x24: {  	s3 =	sadd.s32 $0x88, s3;
	s6 =	simm.s32 @!p1 $0x1082;
	[sflag:s4] =	ssyncset.s32 $0xFFFFF086  }
0x25: {  	[simem:s6], [sflag:s4] =	dma.local [hbm:s3], $0xF7A  }
0x26: {  	[smem:$0x3F5E] =	sst s1;
	(tag) =	ssettag s2;
	_ =	strace s9  }
0x27: {  	s1 =	sld [smem:$0x3F6E]  }
0x28: {  	s2 =	sld [smem:$0x3F6F]  }
0x29: {  	s4 =	sld [smem:$0x3F71]  }
0x2a: {  	p0 =	seq.s32 s5, $0x0;
	s5 =	sld [smem:$0x3F72]  }
0x2b: {  	s6 =	sld [smem:$0x3F73]  }
0x2c: {  	s7 =	sld [smem:$0x3F74]  }
0x2d: {  	s3 =	simm.s32 $0x108;
	s8 =	sld [smem:$0x3F75]  }
0x2e: {  	s3 =	simm.s32 @!p0 $0x1082;
	s9 =	sld [smem:$0x3F76]  }
0x2f: {  	lr =	sadd.s32 s0, s3;
	s0 =	sld [smem:$0x3F6D]  }
0x30: {  	s3 =	sld [smem:$0x3F70]  }
0x31: {  	[smem:$0x3F79] =	sst s10  }
0x32: {  	s10 =	sld [smem:$0x3F77];
	_ =	sdelay $0x3  }
0x33: {  	p0 =	seq.s32 s10, $0x1;
	s10 =	sld [smem:$0x3F79];
	_ =	sdelay $0x3  }
0x34: {  	[smem:$0x3F79] =	sst s10  }
0x35: {  	s10 =	sld [smem:$0x3F78];
	_ =	sdelay $0x3  }
0x36: {  	p1 =	seq.s32 s10, $0x1;
	s10 =	sld [smem:$0x3F79];
	_ =	sdelay $0x3  }
0x37: {  	[smem:$0x3F79] =	sst s10  }
0x38: {  	s10 =	sld [smem:$0x3F7A]  }
0x39: {  	_ = 	snop;
	(pc) =	sbr.ind lr, $3  }
0x3a: {  	_ = 	snop  }
0x3b: {  	_ = 	snop  }
0x3c: {  	p2 =	seq.s32 s10, $0x1;
	s10 =	sld [smem:$0x3F79]  }
0x3d: {  	_ =	shalt  }
0x3e: {  	_ =	shalt  }
0x3f: {  	_ =	shalt  }
0x40: {  	_ =	shalt  }
0x41: {  	_ =	shalt  }
0x42: {  	_ =	shalt  }
0x43: {  	_ =	shalt  }
0x44: {  	_ =	shalt  }
0x45: {  	_ =	shalt  }
0x46: {  	_ =	shalt  }
0x47: {  	_ =	shalt  }
0x48: {  	_ =	shalt  }
0x49: {  	_ =	shalt  }
0x4a: {  	_ =	shalt  }
0x4b: {  	_ =	shalt  }
0x4c: {  	_ =	shalt  }
0x4d: {  	_ =	shalt  }
0x4e: {  	_ =	shalt  }
0x4f: {  	_ =	shalt  }
0x50: {  	_ =	shalt  }
0x51: {  	_ =	shalt  }
0x52: {  	_ =	shalt  }
0x53: {  	_ =	shalt  }
0x54: {  	_ =	shalt  }
0x55: {  	_ =	shalt  }
0x56: {  	_ =	shalt  }
0x57: {  	_ =	shalt  }
0x58: {  	_ =	shalt  }
0x59: {  	_ =	shalt  }
0x5a: {  	_ =	shalt  }
0x5b: {  	_ =	shalt  }
0x5c: {  	_ =	shalt  }
0x5d: {  	_ =	shalt  }
0x5e: {  	_ =	shalt  }
0x5f: {  	_ =	shalt  }
0x60: {  	_ =	shalt  }
0x61: {  	_ =	shalt  }
0x62: {  	_ =	shalt  }
0x63: {  	_ =	shalt  }
0x64: {  	_ =	shalt  }
0x65: {  	_ =	shalt  }
0x66: {  	_ =	shalt  }
0x67: {  	_ =	shalt  }
0x68: {  	_ =	shalt  }
0x69: {  	_ =	shalt  }
0x6a: {  	_ =	shalt  }
0x6b: {  	_ =	shalt  }
0x6c: {  	_ =	shalt  }
0x6d: {  	_ =	shalt  }
0x6e: {  	_ =	shalt  }
0x6f: {  	_ =	shalt  }
0x70: {  	_ =	shalt  }
0x71: {  	_ =	shalt  }
0x72: {  	_ =	shalt  }
0x73: {  	_ =	shalt  }
0x74: {  	_ =	shalt  }
0x75: {  	_ =	shalt  }
0x76: {  	_ =	shalt  }
0x77: {  	_ =	shalt  }
0x78: {  	_ =	shalt  }
0x79: {  	_ =	shalt  }
0x7a: {  	_ =	shalt  }
0x7b: {  	_ =	shalt  }
0x7c: {  	_ =	shalt  }
0x7d: {  	_ =	shalt  }
0x7e: {  	_ =	shalt  }
0x7f: {  	_ =	shalt  }
0x80: {  	_ =	shalt  }
0x81: {  	_ =	shalt  }
0x82: {  	_ =	shalt  }
0x83: {  	_ =	shalt  }
0x84: {  	_ =	shalt  }
0x85: {  	_ =	shalt  }
0x86: {  	_ =	shalt  }
0x87: {  	_ =	shalt  }
.Lfunc_end0:
.L_simem_size_0:
called_computation.2_lowered:
.L_overlay_start_0:
0x88: {  	s2 =	sld [smem:$0x3FD9]  }
0x89: {  	s3 =	sld [smem:$0x3FFE];
	_ =	sdelay $0x1  }
0x8a: {  	s1 =	srdreg.scid  }
0x8b: {  	s0 =	sand.u32 $0x1, s1  }
0x8c: {  	s14 =	sshll.u32 s0, $0xA;
	s2 =	sadd.s32 s3, s2  }
0x8d: {  	s2 =	sadd.s32 s2, s14  }
0x8e: {  	[smem:$0x3F85] =	sst s2  }
0x8f: {  	_ = 	snop  }
0x90: {  	s2 =	sld [smem:$0x3FD0];
	_ =	sdelay $0x2  }
0x91: {  	s15 =	simm.s32 $0xB;
	s4 =	simm.s32 $0x10  }
0x92: {  	[smem:s4], [sflag:s15] =	dma.local [hbm:s2], $0x1  }
0x93: {  	_ =	swait.eq [sflag:s15], $0x1  }
0x94: {  	[sflag:s15] =	ssyncset.done $0x0  }
0x95: {  	[sflag:s15] =	ssyncadd.s32 $0xFFFFFFFF  }
0x96: {  	s16 =	sld [smem:$0x11];
	(tm) =	ssettm $0x1  }
0x97: {  	s17 =	sld [smem:$0x3FFB];
	_ =	sdelay $0x3  }
0x98: {  	_ =	strace s17  }
0x99: {  	s3 =	sld [smem:$0x3FFC];
	_ =	sdelay $0x3  }
0x9a: {  	_ =	strace s3  }
0x9b: {  	s3 =	sld [smem:$0x3FFD];
	_ =	sdelay $0x3  }
0x9c: {  	_ =	strace s3  }
0x9d: {  	_ =	strace $0x8FFFFFFF  }
0x9e: {  	s18 =	sld [smem:$0x3FDB];
	_ =	sdelay $0x1  }
0x9f: {  	s19 =	simm.s32 $_scs_section_size  }
0xa0: {  	s5 =	simm.s32 $_size__tile_overlayer_lowered;
	s6 =	simm.s32 $_tile_overlayer_lowered  }
0xa1: {  	s22 =	simm.s32 $0x1BFF;
	s21 =	sshll.u32 s6, $0x1;
	s3 =	sadd.s32 s19, s18  }
0xa2: {  	s7 =	simm.s32 $0x0;
	s20 =	sshll.u32 s5, $0x1;
	s5 =	sadd.s32 s21, s3  }
0xa3: {  	[timem:s7], [sflag:s22] =	dma.local [hbm:s5], s20  }
0xa4: {  	_ =	swait.ge [sflag:s22], s20  }
0xa5: {  	s4 =	ssub.s32 $0x0, s20;
	[sflag:s22] =	ssyncset.done $0x0  }
0xa6: {  	[sflag:s22] =	ssyncadd.s32 s4;
	_ =	sdelay $0x1  }
0xa7: {  	s23 =	simm.s32 $0x1B8B  }
0xa8: {  	_ =	swait.ge [sflag:s23], $0x1  }
0xa9: {  	[sflag:s23] =	ssyncset.done $0x0  }
0xaa: {  	s25 =	simm.s32 $0x1B8E;
	s24 =	sld [smem:$0x3FFE];
	[sflag:s23] =	ssyncadd.s32 $0xFFFFFFFF  }
0xab: {  	s26 =	simm.s32 $execute0_lowered;
	[smem:$0x3FD2] =	sst s25  }
0xac: {  	s5 =	sshll.u32 s26, $0x1;
	_ =	strace $0x80000046;
	[dreg:$0x1] =	wrdreg $0xFFFFFFFF  }
0xad: {  	s28 =	simm.s32 $_size_execute0_lowered;
	s3 =	sadd.s32 s3, s5;
	[dreg:$0x0] =	wrdreg $0x0  }
0xae: {  	s5 =	sshll.u32 s28, $0x1;
	[dreg:$0x2] =	wrdreg s3  }
0xaf: {  	[dreg:$0x3] =	wrdreg s5  }
0xb0: {  	[dreg:$0x4] =	wrdreg $0xC0  }
0xb1: {  	_ =	task [dreg:s7], $0x5FFFF  }
0xb2: {  	[dreg:$0x1] =	wrdreg $0xFFFFFFFF  }
0xb3: {  	[dreg:$0x0] =	wrdreg $0x60  }
0xb4: {  	[dreg:$0x2] =	wrdreg s24  }
0xb5: {  	[dreg:$0x3] =	wrdreg s16  }
0xb6: {  	[dreg:$0x4] =	wrdreg $0xA  }
0xb7: {  	_ =	task.clear_ibuf [dreg:s7], $0x5FFFF;
	_ =	strace $0x90000046  }
0xb8: {  	s29 =	simm.s32 $0xA;
	_ =	strace $0x80000048  }
0xb9: {  	_ =	swait.ge [sflag:s29], $0x1  }
0xba: {  	[sflag:s29] =	ssyncadd.s32 $0xFFFFFFFF  }
0xbb: {  	_ =	strace $0x90000048  }
0xbc: {  	_ =	sfence  }
0xbd: {  	s30 =	sld [smem:$0x0];
	_ =	sdelay $0x2  }
0xbe: {  	s31 =	sshll.u32 s1, $0xD;
	s1 =	sshrl.u32 s1, $0x2  }
0xbf: {  	s3 =	sand.u32 $0x4000, s31;
	s1 =	sadd.s32 s1, s30  }
0xc0: {  	s0 =	sor.u32 s3, s0;
	s1 =	sshll.u32 s1, $0x11  }
0xc1: {  	s0 =	sor.u32 s1, s0  }
0xc2: {  	s0 =	sadd.s32 $0x8F2B, s0  }
0xc3: {  	[sflag:s0] =	ssyncadd.remote.s32 $0x1  }
0xc4: {  	_ =	sfence.sel $0xFFFF  }
0xc5: {  	[dreg:$0x0] =	wrdreg $0xFFFFFFFF;
	(pc) =	sbr.abs _section_cstart, $3  }
0xc6: {  	[dreg:$0x1] =	wrdreg $0xFFFFFFFF  }
0xc7: {  	_ =	task.clear_ibuf [dreg:s7], $0x2FFFF;
	_ =	strace $0x9FFFFFFF  }
0xc8: {  	(tm) =	ssettm $0x7FFFFFFF  }
0xc9: {  	_ =	shalt  }
tec
execute0_lowered:
.L_overlay_start_1:
0x0: {  	(tag) =	ssettag $0x1  }
0x1: {  	s2 =	rddreg [dreg:$0x0]  }
0x2: {  	s3 =	rddreg [dreg:$0x1]  }
0x3: {  	s0 =	rddreg [dreg:$0x2];
	s1 =	srdreg.scid;
	_ =	strace $0x80000047  }
0x4: {  	s4 =	simm.s32 $0x1;
	s9 =	simm.s32 $0x3;
	s5 =	sshll.u32 s1, $0x4  }
.Ltmp0:
0x5: {  	s1 =	stileid.u32;
	s5 =	sand.u32 $0x10, s5;
	(pc) =	sbr.rel .LBB2_1-.Ltmp0, $4  }
0x6: {  	s12 =	simm.s32 $0x0;
	s10 =	simm.s32 $0x0;
	s6 =	sor.u32 s1, s5  }
0x7: {  	[sflag:s4] =	ssyncpa.u1 $0x0;
	s5 =	simm.s32 $0x2;
	s6 =	sshll.u32 s6, $0x6  }
0x8: {  	s7 =	sadd.s32 $0x20000, s2;
	[sflag:s5] =	ssyncpa.u1 $0x0;
	s8 =	sadd.s32 $0x40, s6  }
0x9: {  	vm0 =	vmmov $0xff;
	vm1 =	vcmask $0x3F20;
	[sflag:s9] =	ssyncpa.u1 $0x0;
	s9 =	simm.s32 $0x40;
	s11 =	smov.u32 s6  }
.LBB2_9:
0xa: {  	p0 =	seq.s32 s10, $0x2  }
.Ltmp1:
0xb: {  	_ = 	snop;
	(pc) =	sbr.rel @p0 .LBB2_11-.Ltmp1, $1  }
0xc: {  	_ =	sdelay $0x3  }
.LBB2_10:
0xd: {  	s12 =	sadd.s32 $0x40, s11  }
0xe: {  	s13 =	smov.u32 s6;
	p0 =	slt.s32 s12, s8  }
0xf: {  	s13 =	smov.u32 @p0 s12  }
0x10: {  	s10 =	sadd.s32 $0x1, s10;
	s12 =	smov.u32 s11;
	s11 =	smov.u32 s13  }
.LBB2_1:
0x11: {  	p0 =	sne.s32 s10, $0x0  }
.Ltmp2:
0x12: {  	_ = 	snop;
	(pc) =	sbr.rel @!p0 .LBB2_2-.Ltmp2, $1  }
0x13: {  	_ =	sdelay $0x3  }
0x14: {  	s13 =	sand.u32 $0x1, s10  }
0x15: {  	p0 =	seq.s32 s13, $0x0  }
.Ltmp3:
0x16: {  	_ = 	snop;
	(pc) =	sbr.rel @p0 .LBB2_9-.Ltmp3, $1  }
0x17: {  	_ =	sdelay $0x3  }
0x18: {  	_ =	swait.ge [sflag:s5], $0x40  }
0x19: {  	[sflag:s5] =	ssyncset.done $0x0  }
0x1a: {  	s13 =	simm.s32 $0x0;
	[sflag:s5] =	ssyncadd.s32 $0xFFFFFFC0  }
0x1b: {  	v0 =	vld.msk [tilespmem:s13+$0x40 ss:$0x1], $0xffff;
	_ =	sdelay $0x4  }
0x1c: {  	v1 =	vshll.u32 v0, $0x4  }
0x1d: {  	vm2 =	veq.s32 v0, $0x80000000;
	v0 =	vshll.u32 v0, $0x11;
	v1 =	vand.u32 $0x1FF80, v1  }
0x1e: {  	v0 =	vand.u32 $0xE0000, v0;
	v1 =	vsel vm2, $0xFFFFFF80, v1  }
0x1f: {  	v0 =	vsel vm2, $0xFFFE0000, v0;
	v2 =	vand.u32 $0xFFFFFC00, v1  }
0x20: {  	v1 =	vand.u32 $0x380, v1;
	v0 =	vadd.s32 v0, v2  }
0x21: {  	v0 =	vor.u32 v1, v0  }
0x22: {  	v0 =	vshrl.u32 v0, $0x3;
	_ =	sdelay $0x3  }
0x23: {  	s13 =	simm.s32 $0x2080  }
0x24: {  	[tilespmem:s13], [sflag:$0x1] =	stream.indirect_vreg.gather [hbm:s2], $0x80, v0, vm0, $0x38;
	[tilespmem:$0x4080] =	vst v63  }
0x25: {  	s14 =	simm.s32 $0x2480;
	s31 =	simm.s32 $0x10  }
0x26: {  	[tilespmem:s14], [sflag:$0x1] =	stream.indirect_vreg.gather [hbm:s2], $0x80, v0, vm1, $0x38;
	[tilespmem:$0x4080] =	vst v63  }
0x27: {  	s14 =	simm.s32 $0x80;
	v0 =	vld.msk [tilespmem:s31+$0x40 ss:$0x1], $0xffff  }
.LBB2_5:
0x28: {  	p0 =	sne.s32 s14, $0xC0;
	_ =	sdelay $0x4  }
0x29: {  	v1 =	vshll.u32 v0, $0x4  }
0x2a: {  	vm2 =	veq.s32 v0, $0x80000000;
	v0 =	vshll.u32 v0, $0x11;
	v1 =	vand.u32 $0x1FF80, v1  }
0x2b: {  	v0 =	vand.u32 $0xE0000, v0;
	v1 =	vsel vm2, $0xFFFFFF80, v1  }
0x2c: {  	v0 =	vsel vm2, $0xFFFE0000, v0;
	v2 =	vand.u32 $0xFFFFFC00, v1  }
0x2d: {  	v1 =	vand.u32 $0x380, v1;
	v0 =	vadd.s32 v0, v2  }
0x2e: {  	v0 =	vor.u32 v1, v0  }
0x2f: {  	v0 =	vshrl.u32 v0, $0x3;
	_ =	sdelay $0x3  }
.Ltmp4:
0x30: {  	s13 =	sadd.s32 $0x800, s13;
	(pc) =	sbr.rel @p0 .LBB2_5-.Ltmp4, $4  }
0x31: {  	[tilespmem:s13], [sflag:$0x1] =	stream.indirect_vreg.gather [hbm:s2], $0x80, v0, vm0, $0x38;
	[tilespmem:$0x4080] =	vst v63  }
0x32: {  	s15 =	sshra.s32 s14, $0x2;
	s16 =	sadd.s32 $0x400, s13  }
0x33: {  	[tilespmem:s16], [sflag:$0x1] =	stream.indirect_vreg.gather [hbm:s2], $0x80, v0, vm1, $0x38;
	[tilespmem:$0x4080] =	vst v63  }
0x34: {  	s14 =	sadd.s32 $0x40, s14;
	v0 =	vld.msk [tilespmem:s15+$0x40 ss:$0x1], $0xffff  }
0x35: {  	_ =	sdelay $0x3  }
0x36: {  	v1 =	vshll.u32 v0, $0x4  }
0x37: {  	vm2 =	veq.s32 v0, $0x80000000;
	v63 =	vshll.u32 v0, $0x11;
	v1 =	vand.u32 $0x1FF80, v1  }
0x38: {  	v0 =	vand.u32 $0xE0000, v63;
	v1 =	vsel vm2, $0xFFFFFF80, v1  }
0x39: {  	v0 =	vsel vm2, $0xFFFE0000, v0;
	v2 =	vand.u32 $0xFFFFFC00, v1  }
0x3a: {  	v1 =	vand.u32 $0x380, v1;
	v0 =	vadd.s32 v0, v2  }
0x3b: {  	v0 =	vor.u32 v1, v0  }
0x3c: {  	v0 =	vshrl.u32 v0, $0x3;
	_ =	sdelay $0x3  }
0x3d: {  	s13 =	sadd.s32 $0x800, s13  }
0x3e: {  	[tilespmem:s13], [sflag:$0x1] =	stream.indirect_vreg.gather [hbm:s2], $0x80, v0, vm0, $0x38;
	[tilespmem:$0x4080] =	vst v63  }
0x3f: {  	s13 =	sadd.s32 $0x400, s13  }
0x40: {  	[tilespmem:s13], [sflag:$0x1] =	stream.indirect_vreg.gather [hbm:s2], $0x80, v0, vm1, $0x38;
	[tilespmem:$0x4080] =	vst v63  }
0x41: {  	s12 =	sshll.u32 s12, $0x4;
	s14 =	simm.s32 $0x80;
	_ =	swait.ge [sflag:s4], $0x2000  }
0x42: {  	s15 =	simm.s32 $0x2480;
	s12 =	sadd.s32 s12, s7;
	[sflag:s4] =	ssyncset.done $0x0  }
0x43: {  	s16 =	sadd.s32 $0x0, s12;
	s13 =	simm.s32 $0x2080;
	[sflag:s4] =	ssyncadd.s32 $0xFFFFE000  }
.LBB2_7:
0x44: {  	[hbm:s16] =	stream.linear.scatter [tilespmem:s13], [sflag:$0x3], $0x400, $0x38;
	[tilespmem:$0x4080] =	vst v63  }
0x45: {  	s16 =	smov.u32 s14;
	s13 =	smov.u32 s15;
	p0 =	sne.s32 s14, $0x380  }
.Ltmp5:
0x46: {  	s14 =	sadd.s32 $0x80, s14;
	(pc) =	sbr.rel @p0 .LBB2_7-.Ltmp5, $2  }
0x47: {  	_ =	sdelay $0x2  }
0x48: {  	s15 =	sadd.s32 $0x400, s15;
	s16 =	sadd.s32 s16, s12  }
.Ltmp6:
0x49: {  	(pc) =	sbr.rel .LBB2_9-.Ltmp6, $2  }
0x4a: {  	_ =	sdelay $0x2  }
0x4b: {  	[hbm:s16] =	stream.linear.scatter [tilespmem:s13], [sflag:$0x3], $0x400, $0x38;
	[tilespmem:$0x4080] =	vst v63  }
.LBB2_2:
.Ltmp7:
0x4c: {  	(pc) =	sbr.rel .LBB2_10-.Ltmp7, $4  }
0x4d: {  	_ = 	snop  }
0x4e: {  	s12 =	sshrl.u32 s11, $0x3  }
0x4f: {  	s13 =	sand.u32 $0x7, s11;
	s12 =	sadd.s32 s3, s12  }
0x50: {  	[tilespmem:s9], [sflag:$0x2] =	stream.linear.gather [hbm4b:s12+s13], $0x40, $0x38;
	[tilespmem:$0x4080] =	vst v63  }
.LBB2_11:
0x51: {  	s2 =	simm.s32 $0x3  }
0x52: {  	_ =	swait.ge [sflag:s2], $0x2000  }
0x53: {  	[sflag:s2] =	ssyncset.done $0x0  }
0x54: {  	[sflag:s2] =	ssyncadd.s32 $0xFFFFE000  }
0x55: {  	_ =	sfence.sel $0x180000  }
0x56: {  	s3 =	simm.s32 $0x2;
	[bflag:$0x0] =	sbarrier.arrive $0xFFFF  }
0x57: {  	[sflag:s3] =	ssyncpa.u1 $0x1  }
0x58: {  	s31 =	simm.s32 $0x1;
	[sflag:s2] =	ssyncpa.u1 $0x1  }
0x59: {  	[sflag:s31] =	ssyncpa.u1 $0x1  }
0x5a: {  	p0 =	sne.s32 s1, $0x0;
	_ =	strace $0x90000047  }
0x5b: {  	s0 =	sadd.s32 @!p0 $0x100000, s0;
	[bflag:$0x2] =	sbarrier.arrive $0xFFFF  }
0x5c: {  	[sflag:s0] =	ssyncadd.tile.s32 @!p0 $0x1;
	_ =	shalt  }
.Lfunc_end2:
_tile_overlayer_lowered:
.L_overlay_start_2:
0x5d: {  	(tag) =	ssettag $0x2  }
0x5e: {  	s0 =	rddreg [dreg:$0x0];
	s2 =	stileid.u32  }
0x5f: {  	s1 =	rddreg [dreg:$0x1];
	p0 =	sne.s32 s2, $0x0  }
0x60: {  	s3 =	rddreg [dreg:$0x2];
	[bflag:$0x3] =	sbarrier.arrive $0xFFFF;
	s2 =	simm.s32 @!p0 $0x1C01  }
0x61: {  	[timem:s3], [sflag:s2] =	dma.local @!p0 [hbm:s0], s1  }
0x62: {  	s0 =	simm.s32 @!p0 $0x1  }
0x63: {  	_ =	swait.ge @!p0 [sflag:s0], s1  }
0x64: {  	s1 =	ssub.s32 @!p0 $0x0, s1;
	[sflag:s0] =	ssyncset.done @!p0 $0x0  }
0x65: {  	[sflag:s0] =	ssyncadd.s32 @!p0 s1  }
0x66: {  	[bflag:$0x3] =	sbarrier.arrive $0xFFFF  }
0x67: {  	_ =	shalt  }

// kernel: sparse-core-data-format-call.1.cloned.1.call-start
scs
called_computation.1_lowered:
.L_overlay_start_0:
0x0: {  	s2 =	sld [smem:$0x3FD9]  }
0x1: {  	s3 =	sld [smem:$0x3FFE];
	_ =	sdelay $0x1  }
0x2: {  	s1 =	srdreg.scid  }
0x3: {  	s0 =	sand.u32 $0x1, s1  }
0x4: {  	s18 =	sshll.u32 s0, $0xA;
	s2 =	sadd.s32 s3, s2  }
0x5: {  	s2 =	sadd.s32 s2, s18  }
0x6: {  	[smem:$0x3F85] =	sst s2  }
0x7: {  	_ = 	snop  }
0x8: {  	(tm) =	ssettm $0x1  }
0x9: {  	s19 =	sld [smem:$0x3FFB];
	_ =	sdelay $0x3  }
0xa: {  	_ =	strace s19  }
0xb: {  	s2 =	sld [smem:$0x3FFC];
	_ =	sdelay $0x3  }
0xc: {  	_ =	strace s2  }
0xd: {  	s2 =	sld [smem:$0x3FFD];
	_ =	sdelay $0x3  }
0xe: {  	_ =	strace s2  }
0xf: {  	_ =	strace $0x8FFFFFFF  }
0x10: {  	s20 =	sld [smem:$0x3FDB];
	_ =	sdelay $0x1  }
0x11: {  	s21 =	simm.s32 $_scs_section_size  }
0x12: {  	s4 =	simm.s32 $_size__tile_overlayer_lowered;
	s5 =	simm.s32 $_tile_overlayer_lowered  }
0x13: {  	s6 =	simm.s32 $0x1BFF;
	s22 =	sshll.u32 s5, $0x1;
	s3 =	sadd.s32 s21, s20  }
0x14: {  	s23 =	simm.s32 $0x0;
	s4 =	sshll.u32 s4, $0x1;
	s5 =	sadd.s32 s22, s3  }
0x15: {  	[timem:s23], [sflag:s6] =	dma.local [hbm:s5], s4  }
0x16: {  	_ =	swait.ge [sflag:s6], s4  }
0x17: {  	s4 =	ssub.s32 $0x0, s4;
	[sflag:s6] =	ssyncset.done $0x0  }
0x18: {  	[sflag:s6] =	ssyncadd.s32 s4;
	_ =	sdelay $0x1  }
0x19: {  	s24 =	simm.s32 $0x1B8B  }
0x1a: {  	_ =	swait.ge [sflag:s24], $0x1  }
0x1b: {  	[sflag:s24] =	ssyncset.done $0x0  }
0x1c: {  	[sflag:s24] =	ssyncadd.s32 $0xFFFFFFFF  }
0x1d: {  	s4 =	sld [smem:$0x0]  }
0x1e: {  	s5 =	sand.u32 $0xFFFFFFFE, s1  }
0x1f: {  	p0 =	sne.s32 s1, s5  }
0x20: {  	s5 =	sshll.u32 @p0 s5, $0xE  }
0x21: {  	s5 =	sadd.s32 @p0 $0x11B8D, s5;
	s6 =	sshll.u32 @p0 s4, $0x11  }
0x22: {  	s5 =	sor.u32 @p0 s6, s5  }
0x23: {  	[sflag:s5] =	ssyncadd.remote.s32 @p0 $0x1;
	_ =	sdelay $0x1  }
0x24: {  	s5 =	simm.s32 @p0 $0x1B8D  }
0x25: {  	_ =	swait.eq @p0 [sflag:s5], $0x1  }
0x26: {  	[sflag:s5] =	ssyncadd.s32 @p0 $0xFFFFFFFF  }
0x27: {  	s6 =	sshll.u32 @!p0 s1, $0xE  }
0x28: {  	s6 =	sor.u32 @!p0 $0x4000, s6;
	s5 =	simm.s32 @!p0 $0x1B8D  }
0x29: {  	s4 =	sshll.u32 @!p0 s4, $0x11;
	s6 =	sadd.s32 @!p0 $0x11B8D, s6;
	_ =	swait.eq @!p0 [sflag:s5], $0x1  }
0x2a: {  	s4 =	sor.u32 @!p0 s4, s6;
	[sflag:s5] =	ssyncadd.s32 @!p0 $0xFFFFFFFF  }
0x2b: {  	s26 =	simm.s32 $0x1B8E;
	s25 =	sld [smem:$0x3FFE];
	[sflag:s4] =	ssyncadd.remote.s32 @!p0 $0x1  }
0x2c: {  	s27 =	simm.s32 $execute0_lowered;
	[smem:$0x3FD2] =	sst s26  }
0x2d: {  	s5 =	sshll.u32 s27, $0x1;
	_ =	strace $0x80000049;
	[dreg:$0x1] =	wrdreg $0xFFFFFFFF  }
0x2e: {  	s28 =	simm.s32 $_size_execute0_lowered;
	s3 =	sadd.s32 s3, s5;
	[dreg:$0x0] =	wrdreg $0x0  }
0x2f: {  	s5 =	sshll.u32 s28, $0x1;
	[dreg:$0x2] =	wrdreg s3  }
0x30: {  	[dreg:$0x3] =	wrdreg s5  }
0x31: {  	[dreg:$0x4] =	wrdreg $0xC0  }
0x32: {  	_ =	task [dreg:s23], $0x5FFFF  }
0x33: {  	[dreg:$0x1] =	wrdreg $0xFFFFFFFF  }
0x34: {  	[dreg:$0x0] =	wrdreg $0x60  }
0x35: {  	[dreg:$0x2] =	wrdreg s25  }
0x36: {  	[dreg:$0x3] =	wrdreg $0x9  }
0x37: {  	_ =	task.clear_ibuf [dreg:s23], $0x4FFFF;
	_ =	strace $0x90000049  }
0x38: {  	s29 =	simm.s32 $0x9;
	_ =	strace $0x8000004B  }
0x39: {  	_ =	swait.ge [sflag:s29], $0x1  }
0x3a: {  	[sflag:s29] =	ssyncadd.s32 $0xFFFFFFFF  }
0x3b: {  	_ =	strace $0x9000004B  }
0x3c: {  	_ =	sfence  }
0x3d: {  	s30 =	sld [smem:$0x0];
	_ =	sdelay $0x2  }
0x3e: {  	s31 =	sshll.u32 s1, $0xD;
	s1 =	sshrl.u32 s1, $0x2  }
0x3f: {  	s4 =	sand.u32 $0x4000, s31;
	s1 =	sadd.s32 s1, s30  }
0x40: {  	s0 =	sor.u32 s4, s0;
	s1 =	sshll.u32 s1, $0x11  }
0x41: {  	s0 =	sor.u32 s1, s0  }
0x42: {  	s0 =	sadd.s32 $0x8F2B, s0  }
0x43: {  	[sflag:s0] =	ssyncadd.remote.s32 $0x1  }
0x44: {  	_ =	sfence.sel $0xFFFF  }
0x45: {  	[dreg:$0x0] =	wrdreg $0xFFFFFFFF;
	(pc) =	sbr.abs _section_cstart, $3  }
0x46: {  	[dreg:$0x1] =	wrdreg $0xFFFFFFFF  }
0x47: {  	_ =	task.clear_ibuf [dreg:s23], $0x2FFFF;
	_ =	strace $0x9FFFFFFF  }
0x48: {  	(tm) =	ssettm $0x7FFFFFFF  }
0x49: {  	_ =	shalt  }
tec
execute0_lowered:
.L_overlay_start_1:
0x0: {  	(tag) =	ssettag $0x1  }
0x1: {  	s0 =	stileid.u32;
	s1 =	srdreg.scid  }
0x2: {  	s4 =	rddreg [dreg:$0x0];
	s7 =	simm.s32 $0x1;
	s31 =	simm.s32 $0x2  }
0x3: {  	s16 =	simm.s32 $0x0;
	s2 =	sshll.u32 s0, $0x4;
	s1 =	sshll.u32 s1, $0x8  }
0x4: {  	s9 =	simm.s32 $0x2000;
	s14 =	simm.s32 $0x0;
	s1 =	sor.u32 s2, s1  }
0x5: {  	s15 =	simm.s32 $0x0;
	s10 =	simm.s32 $0x0;
	s2 =	sand.u32 $0x180, s1  }
0x6: {  	s13 =	simm.s32 $0x0;
	s3 =	sadd.s32 $0x28000, s4;
	s5 =	ssub.s32 $0x400, s2  }
0x7: {  	s4 =	sadd.s32 $0x128000, s4;
	s1 =	rddreg [dreg:$0x1];
	s6 =	sand.u32 $0x180, s5  }
.Ltmp0:
0x8: {  	_ =	strace $0x8000004A;
	p0 =	sne.s32 s6, $0x0;
	(pc) =	sbr.rel .LBB1_1-.Ltmp0, $4  }
0x9: {  	s11 =	smov.u32 s2;
	s8 =	sshrl.u32 s5, $0x9;
	s7 =	simm.s32 @!p0 $0x0  }
0xa: {  	s5 =	sand.u32 $0x7, s0;
	s6 =	simm.s32 $0x1;
	s7 =	sadd.s32 s7, s8  }
0xb: {  	s12 =	smov.u32 s5;
	[sflag:s6] =	ssyncpa.u1 $0x0;
	s7 =	sshll.u32 s7, $0x3  }
0xc: {  	p0 =	por $0x0, $0x0;
	[sflag:s31] =	ssyncpa.u1 $0x0;
	s8 =	sor.u32 $0x1, s7  }
.LBB1_4:
0xd: {  	v5 =	vld [tilespmem:s20+$0xFFFFFFD0];
	[tilespmem:s19+$0x2040 ss:$0x81] =	vst.msk $0xffff, v1  }
0xe: {  	v58 =	vld [tilespmem:s20+$0xFFFFFFE0];
	[tilespmem:s19+$0x2850 ss:$0x81] =	vst.msk $0xffff, v2  }
0xf: {  	s21 =	sshra.s32 s21, $0x2;
	v59 =	vld [tilespmem:s20+$0xFFFFFFF0];
	[tilespmem:s19+$0x3060 ss:$0x81] =	vst.msk $0xffff, v3  }
0x10: {  	v60 =	vld [tilespmem:s20+$0x0];
	[tilespmem:s19+$0x0 ss:$0x81] =	vst.msk $0xffff, v0;
	s18 =	sadd.s32 s21, s18  }
0x11: {  	v61 =	vld [tilespmem:s20+$0x10];
	[tilespmem:s18+$0x3870 ss:$0x81] =	vst.msk $0xffff, v4  }
0x12: {  	v62 =	vld [tilespmem:s20+$0x20];
	s26 =	sshll.u32 s16, $0xA;
	s27 =	sshll.u32 s14, $0x3;
	[tilespmem:s18+$0x810 ss:$0x81] =	vst.msk $0xffff, v5  }
0x13: {  	v63 =	vld [tilespmem:s20+$0xFFFFFFC0];
	s29 =	sshll.u32 s16, $0x7;
	s30 =	sand.u32 $0x78, s14;
	s15 =	sshll.u32 s15, $0x11;
	[tilespmem:s18+$0x1020 ss:$0x81] =	vst.msk $0xffff, v58  }
0x14: {  	s19 =	sand.u32 $0xFE000, s26;
	s28 =	sand.u32 $0xFFC00, s27;
	s16 =	sand.u32 $0x380, s29;
	[tilespmem:s18+$0x1830 ss:$0x81] =	vst.msk $0xffff, v59  }
0x15: {  	s31 =	sand.u32 $0x7, s14;
	s19 =	sadd.s32 s28, s19;
	s16 =	sor.u32 s30, s16;
	[tilespmem:s18+$0x2040 ss:$0x81] =	vst.msk $0xffff, v60  }
0x16: {  	s15 =	sadd.s32 s4, s15;
	s19 =	sshrl.u32 s19, $0x3;
	s16 =	sshrl.u32 s16, $0x3;
	[tilespmem:s18+$0x2850 ss:$0x81] =	vst.msk $0xffff, v61  }
0x17: {  	s14 =	sshll.u32 s31, $0x12;
	s19 =	sand.u32 $0x1FF80, s19;
	s15 =	sadd.s32 s16, s15;
	[tilespmem:s18+$0x3060 ss:$0x81] =	vst.msk $0xffff, v62  }
0x18: {  	s14 =	sor.u32 $0x400, s14;
	[tilespmem:s18+$0x0 ss:$0x81] =	vst.msk $0xffff, v63;
	s15 =	sadd.s32 s19, s15  }
0x19: {  	[hbm4b:s15+s14] =	stream.strided.scatter [tilespmem:s17], [sflag:$0x2], $0x4000, s9, s14, $0x20;
	[tilespmem:$0x10100] =	vst v63  }
.LBB1_5:
0x1a: {  	s17 =	sadd.s32 $0x80, s10  }
0x1b: {  	s14 =	sadd.s32 $0x200, s11;
	s18 =	smov.u32 s11;
	p2 =	sgt.s32 s17, $0x3FF  }
0x1c: {  	s18 =	smov.u32 @p2 s14  }
0x1d: {  	s20 =	smov.u32 s12;
	s14 =	sadd.s32 $0x8, s12;
	p3 =	sgt.s32 s18, $0x3FF  }
0x1e: {  	s20 =	smov.u32 @p3 s14  }
0x1f: {  	s17 =	simm.s32 @p2 $0x0;
	p2 =	sgt.s32 s20, $0x7  }
0x20: {  	p1 =	slt.u32 s13, $0x2;
	s20 =	smov.u32 @p2 s5;
	p2 =	sne.s32 s13, s8  }
.Ltmp1:
0x21: {  	s19 =	simm.s32 @!p1 $0x2;
	(pc) =	sbr.rel @!p2 .LBB1_6-.Ltmp1, $4  }
0x22: {  	s16 =	smov.u32 s10;
	s15 =	smov.u32 s12;
	_ =	swait.ge @!p1 [sflag:s19], $0x4000  }
0x23: {  	p0 =	por !p0, !p0;
	[sflag:s19] =	ssyncset.done @!p1 $0x0;
	s10 =	smov.u32 s17  }
0x24: {  	s18 =	smov.u32 @p3 s2;
	s14 =	smov.u32 s11;
	[sflag:s19] =	ssyncadd.s32 @!p1 $0xFFFFC000  }
0x25: {  	s11 =	smov.u32 s18;
	s13 =	sadd.s32 $0x1, s13;
	s12 =	smov.u32 s20  }
.LBB1_1:
0x26: {  	p1 =	sge.u32 s13, s7  }
0x27: {  	s31 =	sadd.s32 $0xFFFFFFFF, s13;
	s17 =	sshll.u32 @!p1 s11, $0x7  }
0x28: {  	s18 =	sxor.u32 @!p1 $0xFFFFFFFF, s13;
	s19 =	sand.u32 @!p1 $0x78, s10;
	s20 =	sand.u32 @!p1 $0x380, s17  }
0x29: {  	s18 =	sshll.u32 @!p1 s18, $0xE;
	s19 =	sor.u32 @!p1 s19, s20;
	s20 =	sshll.u32 @!p1 s12, $0x11  }
0x2a: {  	s17 =	sand.u32 @!p1 $0x1FC00, s17;
	s19 =	sshrl.u32 @!p1 s19, $0x3;
	s20 =	sadd.s32 @!p1 s3, s20  }
0x2b: {  	s17 =	sadd.s32 @!p1 s10, s17;
	s19 =	sadd.s32 @!p1 s19, s20;
	s20 =	sand.u32 @!p1 $0x7, s10  }
0x2c: {  	s18 =	sand.u32 @!p1 $0x4000, s18;
	s17 =	sand.u32 @!p1 $0x1FF80, s17;
	s20 =	sshll.u32 @!p1 s20, $0x12  }
0x2d: {  	s17 =	sadd.s32 @!p1 s17, s19;
	s19 =	sor.u32 @!p1 $0x400, s20;
	s20 =	simm.s32 @!p1 $0x2000  }
0x2e: {  	[tilespmem:s18], [sflag:$0x1] =	stream.strided.gather @!p1 [hbm4b:s17+s19], $0x4000, s20, s19, $0x38;
	[tilespmem:$0x10100] =	vst v63  }
0x2f: {  	p1 =	sge.u32 s31, s7  }
.Ltmp2:
0x30: {  	_ = 	snop;
	(pc) =	sbr.rel @p1 .LBB1_5-.Ltmp2, $1  }
0x31: {  	_ =	sdelay $0x3  }
0x32: {  	s17 =	simm.s32 $0x1  }
0x33: {  	_ =	swait.ge [sflag:s6], $0x4000;
	s17 =	simm.s32 @!p0 $0x0  }
0x34: {  	[sflag:s6] =	ssyncset.done $0x0;
	s18 =	sshll.u32 s17, $0xE  }
0x35: {  	[sflag:s6] =	ssyncadd.s32 $0xFFFFC000;
	s20 =	sor.u32 $0x40, s18  }
0x36: {  	s17 =	smul.u32 $0x10200, s17;
	v0 =	vld [tilespmem:s20+$0x30]  }
0x37: {  	v3 =	vld [tilespmem:s20+$0xFFFFFFD0]  }
0x38: {  	s17 =	sshrl.u32 s17, $0x2;
	v4 =	vld [tilespmem:s20+$0xFFFFFFE0]  }
0x39: {  	v5 =	vld [tilespmem:s20+$0xFFFFFFF0];
	s18 =	sor.u32 $0x8000, s17  }
0x3a: {  	s31 =	sand.u32 $0x1, s13;
	v1 =	vld [tilespmem:s20+$0x0];
	s19 =	sadd.s32 $0x0, s18  }
0x3b: {  	v2 =	vld [tilespmem:s20+$0x10];
	s17 =	smul.u32 $0x10200, s31;
	[tilespmem:s19+$0x3870 ss:$0x81] =	vst.msk $0xffff, v0  }
0x3c: {  	[tilespmem:s19+$0x810 ss:$0x81] =	vst.msk $0xffff, v3;
	v3 =	vld [tilespmem:s20+$0x20]  }
0x3d: {  	s17 =	sshrl.u32 s17, $0x2;
	v0 =	vld [tilespmem:s20+$0xFFFFFFC0];
	[tilespmem:s19+$0x1020 ss:$0x81] =	vst.msk $0xffff, v4;
	s20 =	sadd.s32 $0x80, s20  }
0x3e: {  	s21 =	simm.s32 $0x4;
	s22 =	simm.s32 $0x8;
	s17 =	sor.u32 $0x8000, s17;
	[tilespmem:s19+$0x1830 ss:$0x81] =	vst.msk $0xffff, v5;
	v4 =	vld [tilespmem:s20+$0x30]  }
.LBB1_3:
0x3f: {  	p1 =	sne.s32 s22, $0x1FC;
	v5 =	vld [tilespmem:s20+$0xFFFFFFD0];
	[tilespmem:s19+$0x2040 ss:$0x81] =	vst.msk $0xffff, v1  }
0x40: {  	v6 =	vld [tilespmem:s20+$0xFFFFFFE0];
	[tilespmem:s19+$0x2850 ss:$0x81] =	vst.msk $0xffff, v2  }
0x41: {  	s23 =	sshra.s32 s21, $0x2;
	s21 =	smov.u32 s22;
	v7 =	vld [tilespmem:s20+$0xFFFFFFF0];
	[tilespmem:s19+$0x3060 ss:$0x81] =	vst.msk $0xffff, v3  }
.Ltmp3:
0x42: {  	v1 =	vld [tilespmem:s20+$0x0];
	[tilespmem:s19+$0x0 ss:$0x81] =	vst.msk $0xffff, v0;
	s19 =	sadd.s32 s23, s18;
	(pc) =	sbr.rel @p1 .LBB1_3-.Ltmp3, $4  }
0x43: {  	v2 =	vld [tilespmem:s20+$0x10];
	[tilespmem:s19+$0x3870 ss:$0x81] =	vst.msk $0xffff, v4  }
0x44: {  	[tilespmem:s19+$0x810 ss:$0x81] =	vst.msk $0xffff, v5;
	v3 =	vld [tilespmem:s20+$0x20]  }
0x45: {  	v0 =	vld [tilespmem:s20+$0xFFFFFFC0];
	[tilespmem:s19+$0x1020 ss:$0x81] =	vst.msk $0xffff, v6;
	s20 =	sadd.s32 $0x80, s20  }
0x46: {  	s22 =	sadd.s32 $0x4, s22;
	v4 =	vld [tilespmem:s20+$0x30];
	[tilespmem:s19+$0x1830 ss:$0x81] =	vst.msk $0xffff, v7  }
.Ltmp4:
0x47: {  	_ = 	snop;
	(pc) =	sbr.rel .LBB1_4-.Ltmp4, $1  }
0x48: {  	_ =	sdelay $0x3  }
.LBB1_6:
0x49: {  	_ =	sfence.sel $0x180000  }
0x4a: {  	s2 =	simm.s32 $0x1;
	[bflag:$0x0] =	sbarrier.arrive $0xFFFF  }
0x4b: {  	s31 =	simm.s32 $0x2;
	[sflag:s2] =	ssyncpa.u1 $0x1  }
0x4c: {  	[sflag:s31] =	ssyncpa.u1 $0x1  }
0x4d: {  	p0 =	sne.s32 s0, $0x0;
	_ =	strace $0x9000004A  }
0x4e: {  	s0 =	sadd.s32 @!p0 $0x100000, s1;
	[bflag:$0x2] =	sbarrier.arrive $0xFFFF  }
0x4f: {  	[sflag:s0] =	ssyncadd.tile.s32 @!p0 $0x1;
	_ =	shalt  }
.Lfunc_end1:
_tile_overlayer_lowered:
.L_overlay_start_2:
0x50: {  	(tag) =	ssettag $0x2  }
0x51: {  	s0 =	rddreg [dreg:$0x0];
	s2 =	stileid.u32  }
0x52: {  	s1 =	rddreg [dreg:$0x1];
	p0 =	sne.s32 s2, $0x0  }
0x53: {  	s3 =	rddreg [dreg:$0x2];
	[bflag:$0x3] =	sbarrier.arrive $0xFFFF;
	s2 =	simm.s32 @!p0 $0x1C01  }
0x54: {  	[timem:s3], [sflag:s2] =	dma.local @!p0 [hbm:s0], s1  }
0x55: {  	s0 =	simm.s32 @!p0 $0x1  }
0x56: {  	_ =	swait.ge @!p0 [sflag:s0], s1  }
0x57: {  	s1 =	ssub.s32 @!p0 $0x0, s1;
	[sflag:s0] =	ssyncset.done @!p0 $0x0  }
0x58: {  	[sflag:s0] =	ssyncadd.s32 @!p0 s1  }
0x59: {  	[bflag:$0x3] =	sbarrier.arrive $0xFFFF  }
0x5a: {  	_ =	shalt  }

// kernel: sparse-core-data-format-call.cloned.1.call-start
scs
called_computation_lowered:
.L_overlay_start_0:
0x0: {  	s1 =	sld [smem:$0x3FD9]  }
0x1: {  	s2 =	sld [smem:$0x3FFE];
	_ =	sdelay $0x1  }
0x2: {  	s3 =	srdreg.scid  }
0x3: {  	s0 =	sand.u32 $0x1, s3  }
0x4: {  	s17 =	sshll.u32 s0, $0xA;
	s1 =	sadd.s32 s2, s1  }
0x5: {  	s1 =	sadd.s32 s1, s17  }
0x6: {  	[smem:$0x3F85] =	sst s1  }
0x7: {  	_ = 	snop  }
0x8: {  	(tm) =	ssettm $0x1  }
0x9: {  	s18 =	sld [smem:$0x3FFB];
	_ =	sdelay $0x3  }
0xa: {  	_ =	strace s18  }
0xb: {  	s1 =	sld [smem:$0x3FFC];
	_ =	sdelay $0x3  }
0xc: {  	_ =	strace s1  }
0xd: {  	s1 =	sld [smem:$0x3FFD];
	_ =	sdelay $0x3  }
0xe: {  	_ =	strace s1  }
0xf: {  	_ =	strace $0x8FFFFFFF  }
0x10: {  	s19 =	sld [smem:$0x3FDB];
	_ =	sdelay $0x1  }
0x11: {  	s20 =	simm.s32 $_scs_section_size  }
0x12: {  	s4 =	simm.s32 $_size__tile_overlayer_lowered;
	s5 =	simm.s32 $_tile_overlayer_lowered  }
0x13: {  	s23 =	simm.s32 $0x1BFF;
	s22 =	sshll.u32 s5, $0x1;
	s1 =	sadd.s32 s20, s19  }
0x14: {  	s6 =	simm.s32 $0x0;
	s21 =	sshll.u32 s4, $0x1;
	s4 =	sadd.s32 s22, s1  }
0x15: {  	[timem:s6], [sflag:s23] =	dma.local [hbm:s4], s21  }
0x16: {  	_ =	swait.ge [sflag:s23], s21  }
0x17: {  	s2 =	ssub.s32 $0x0, s21;
	[sflag:s23] =	ssyncset.done $0x0  }
0x18: {  	[sflag:s23] =	ssyncadd.s32 s2;
	_ =	sdelay $0x1  }
0x19: {  	s24 =	simm.s32 $0x1B8B  }
0x1a: {  	_ =	swait.ge [sflag:s24], $0x1  }
0x1b: {  	[sflag:s24] =	ssyncset.done $0x0  }
0x1c: {  	s26 =	simm.s32 $0x1B8E;
	s25 =	sld [smem:$0x3FFE];
	[sflag:s24] =	ssyncadd.s32 $0xFFFFFFFF  }
0x1d: {  	s27 =	simm.s32 $execute0_lowered;
	[smem:$0x3FD2] =	sst s26  }
0x1e: {  	s4 =	sshll.u32 s27, $0x1;
	_ =	strace $0x8000004C;
	[dreg:$0x1] =	wrdreg $0xFFFFFFFF  }
0x1f: {  	s28 =	simm.s32 $_size_execute0_lowered;
	s1 =	sadd.s32 s1, s4;
	[dreg:$0x0] =	wrdreg $0x0  }
0x20: {  	s4 =	sshll.u32 s28, $0x1;
	[dreg:$0x2] =	wrdreg s1  }
0x21: {  	[dreg:$0x3] =	wrdreg s4  }
0x22: {  	[dreg:$0x4] =	wrdreg $0xC0  }
0x23: {  	_ =	task [dreg:s6], $0x5FFFF  }
0x24: {  	[dreg:$0x1] =	wrdreg $0xFFFFFFFF  }
0x25: {  	[dreg:$0x0] =	wrdreg $0x60  }
0x26: {  	[dreg:$0x2] =	wrdreg s25  }
0x27: {  	[dreg:$0x3] =	wrdreg $0x9  }
0x28: {  	_ =	task.clear_ibuf [dreg:s6], $0x4FFFF;
	_ =	strace $0x9000004C  }
0x29: {  	s29 =	simm.s32 $0x9;
	_ =	strace $0x8000004E  }
0x2a: {  	_ =	swait.ge [sflag:s29], $0x1  }
0x2b: {  	[sflag:s29] =	ssyncadd.s32 $0xFFFFFFFF  }
0x2c: {  	_ =	strace $0x9000004E  }
0x2d: {  	_ =	sfence  }
0x2e: {  	s30 =	sld [smem:$0x0];
	_ =	sdelay $0x2  }
0x2f: {  	s31 =	sshll.u32 s3, $0xD;
	s3 =	sshrl.u32 s3, $0x2  }
0x30: {  	s2 =	sand.u32 $0x4000, s31;
	s1 =	sadd.s32 s3, s30  }
0x31: {  	s0 =	sor.u32 s2, s0;
	s1 =	sshll.u32 s1, $0x11  }
0x32: {  	s0 =	sor.u32 s1, s0  }
0x33: {  	s0 =	sadd.s32 $0x8F2B, s0  }
0x34: {  	[sflag:s0] =	ssyncadd.remote.s32 $0x1  }
0x35: {  	_ =	sfence.sel $0xFFFF  }
0x36: {  	[dreg:$0x0] =	wrdreg $0xFFFFFFFF;
	(pc) =	sbr.abs _section_cstart, $3  }
0x37: {  	[dreg:$0x1] =	wrdreg $0xFFFFFFFF  }
0x38: {  	_ =	task.clear_ibuf [dreg:s6], $0x2FFFF;
	_ =	strace $0x9FFFFFFF  }
0x39: {  	(tm) =	ssettm $0x7FFFFFFF  }
tec
execute0_lowered:
.L_overlay_start_1:
0x0: {  	(tag) =	ssettag $0x1  }
0x1: {  	s0 =	stileid.u32;
	s1 =	srdreg.scid  }
0x2: {  	s4 =	rddreg [dreg:$0x0];
	s7 =	simm.s32 $0x1;
	s31 =	simm.s32 $0x2  }
0x3: {  	s16 =	simm.s32 $0x0;
	s2 =	sshll.u32 s0, $0x4;
	s1 =	sshll.u32 s1, $0x8  }
0x4: {  	s9 =	simm.s32 $0x2000;
	s14 =	simm.s32 $0x0;
	s1 =	sor.u32 s2, s1  }
0x5: {  	s15 =	simm.s32 $0x0;
	s10 =	simm.s32 $0x0;
	s2 =	sand.u32 $0x180, s1  }
0x6: {  	s13 =	simm.s32 $0x0;
	s3 =	sadd.s32 $0x128000, s4;
	s5 =	ssub.s32 $0x400, s2  }
0x7: {  	s4 =	sadd.s32 $0x2FF200, s4;
	s1 =	rddreg [dreg:$0x1];
	s6 =	sand.u32 $0x180, s5  }
.Ltmp0:
0x8: {  	_ =	strace $0x8000004D;
	p0 =	sne.s32 s6, $0x0;
	(pc) =	sbr.rel .LBB1_1-.Ltmp0, $4  }
0x9: {  	s11 =	smov.u32 s2;
	s8 =	sshrl.u32 s5, $0x9;
	s7 =	simm.s32 @!p0 $0x0  }
0xa: {  	s5 =	sand.u32 $0x7, s0;
	s6 =	simm.s32 $0x1;
	s7 =	sadd.s32 s7, s8  }
0xb: {  	s12 =	smov.u32 s5;
	[sflag:s6] =	ssyncpa.u1 $0x0;
	s7 =	sshll.u32 s7, $0x3  }
0xc: {  	p0 =	por $0x0, $0x0;
	[sflag:s31] =	ssyncpa.u1 $0x0;
	s8 =	sor.u32 $0x1, s7  }
.LBB1_4:
0xd: {  	v5 =	vld [tilespmem:s20+$0xFFFFFFD0];
	[tilespmem:s19+$0x2040 ss:$0x81] =	vst.msk $0xffff, v1  }
0xe: {  	v58 =	vld [tilespmem:s20+$0xFFFFFFE0];
	[tilespmem:s19+$0x2850 ss:$0x81] =	vst.msk $0xffff, v2  }
0xf: {  	s21 =	sshra.s32 s21, $0x2;
	v59 =	vld [tilespmem:s20+$0xFFFFFFF0];
	[tilespmem:s19+$0x3060 ss:$0x81] =	vst.msk $0xffff, v3  }
0x10: {  	v60 =	vld [tilespmem:s20+$0x0];
	[tilespmem:s19+$0x0 ss:$0x81] =	vst.msk $0xffff, v0;
	s18 =	sadd.s32 s21, s18  }
0x11: {  	v61 =	vld [tilespmem:s20+$0x10];
	[tilespmem:s18+$0x3870 ss:$0x81] =	vst.msk $0xffff, v4  }
0x12: {  	v62 =	vld [tilespmem:s20+$0x20];
	s26 =	sshll.u32 s16, $0xA;
	s27 =	sshll.u32 s14, $0x3;
	[tilespmem:s18+$0x810 ss:$0x81] =	vst.msk $0xffff, v5  }
0x13: {  	v63 =	vld [tilespmem:s20+$0xFFFFFFC0];
	s29 =	sshll.u32 s16, $0x7;
	s30 =	sand.u32 $0x78, s14;
	s15 =	sshll.u32 s15, $0x11;
	[tilespmem:s18+$0x1020 ss:$0x81] =	vst.msk $0xffff, v58  }
0x14: {  	s19 =	sand.u32 $0xFE000, s26;
	s28 =	sand.u32 $0xFFC00, s27;
	s16 =	sand.u32 $0x380, s29;
	[tilespmem:s18+$0x1830 ss:$0x81] =	vst.msk $0xffff, v59  }
0x15: {  	s31 =	sand.u32 $0x7, s14;
	s19 =	sadd.s32 s28, s19;
	s16 =	sor.u32 s30, s16;
	[tilespmem:s18+$0x2040 ss:$0x81] =	vst.msk $0xffff, v60  }
0x16: {  	s15 =	sadd.s32 s4, s15;
	s19 =	sshrl.u32 s19, $0x3;
	s16 =	sshrl.u32 s16, $0x3;
	[tilespmem:s18+$0x2850 ss:$0x81] =	vst.msk $0xffff, v61  }
0x17: {  	s14 =	sshll.u32 s31, $0x12;
	s19 =	sand.u32 $0x1FF80, s19;
	s15 =	sadd.s32 s16, s15;
	[tilespmem:s18+$0x3060 ss:$0x81] =	vst.msk $0xffff, v62  }
0x18: {  	s14 =	sor.u32 $0x400, s14;
	[tilespmem:s18+$0x0 ss:$0x81] =	vst.msk $0xffff, v63;
	s15 =	sadd.s32 s19, s15  }
0x19: {  	[hbm4b:s15+s14] =	stream.strided.scatter [tilespmem:s17], [sflag:$0x2], $0x4000, s9, s14, $0x20;
	[tilespmem:$0x10100] =	vst v63  }
.LBB1_5:
0x1a: {  	s17 =	sadd.s32 $0x80, s10  }
0x1b: {  	s14 =	sadd.s32 $0x200, s11;
	s18 =	smov.u32 s11;
	p2 =	sgt.s32 s17, $0x3FF  }
0x1c: {  	s18 =	smov.u32 @p2 s14  }
0x1d: {  	s20 =	smov.u32 s12;
	s14 =	sadd.s32 $0x8, s12;
	p3 =	sgt.s32 s18, $0x3FF  }
0x1e: {  	s20 =	smov.u32 @p3 s14  }
0x1f: {  	s17 =	simm.s32 @p2 $0x0;
	p2 =	sgt.s32 s20, $0x7  }
0x20: {  	p1 =	slt.u32 s13, $0x2;
	s20 =	smov.u32 @p2 s5;
	p2 =	sne.s32 s13, s8  }
.Ltmp1:
0x21: {  	s19 =	simm.s32 @!p1 $0x2;
	(pc) =	sbr.rel @!p2 .LBB1_6-.Ltmp1, $4  }
0x22: {  	s16 =	smov.u32 s10;
	s15 =	smov.u32 s12;
	_ =	swait.ge @!p1 [sflag:s19], $0x4000  }
0x23: {  	p0 =	por !p0, !p0;
	[sflag:s19] =	ssyncset.done @!p1 $0x0;
	s10 =	smov.u32 s17  }
0x24: {  	s18 =	smov.u32 @p3 s2;
	s14 =	smov.u32 s11;
	[sflag:s19] =	ssyncadd.s32 @!p1 $0xFFFFC000  }
0x25: {  	s11 =	smov.u32 s18;
	s13 =	sadd.s32 $0x1, s13;
	s12 =	smov.u32 s20  }
.LBB1_1:
0x26: {  	p1 =	sge.u32 s13, s7  }
0x27: {  	s31 =	sadd.s32 $0xFFFFFFFF, s13;
	s17 =	sshll.u32 @!p1 s11, $0x7  }
0x28: {  	s18 =	sxor.u32 @!p1 $0xFFFFFFFF, s13;
	s19 =	sand.u32 @!p1 $0x78, s10;
	s20 =	sand.u32 @!p1 $0x380, s17  }
0x29: {  	s18 =	sshll.u32 @!p1 s18, $0xE;
	s19 =	sor.u32 @!p1 s19, s20;
	s20 =	sshll.u32 @!p1 s12, $0x11  }
0x2a: {  	s17 =	sand.u32 @!p1 $0x1FC00, s17;
	s19 =	sshrl.u32 @!p1 s19, $0x3;
	s20 =	sadd.s32 @!p1 s3, s20  }
0x2b: {  	s17 =	sadd.s32 @!p1 s10, s17;
	s19 =	sadd.s32 @!p1 s19, s20;
	s20 =	sand.u32 @!p1 $0x7, s10  }
0x2c: {  	s18 =	sand.u32 @!p1 $0x4000, s18;
	s17 =	sand.u32 @!p1 $0x1FF80, s17;
	s20 =	sshll.u32 @!p1 s20, $0x12  }
0x2d: {  	s17 =	sadd.s32 @!p1 s17, s19;
	s19 =	sor.u32 @!p1 $0x400, s20;
	s20 =	simm.s32 @!p1 $0x2000  }
0x2e: {  	[tilespmem:s18], [sflag:$0x1] =	stream.strided.gather @!p1 [hbm4b:s17+s19], $0x4000, s20, s19, $0x38;
	[tilespmem:$0x10100] =	vst v63  }
0x2f: {  	p1 =	sge.u32 s31, s7  }
.Ltmp2:
0x30: {  	_ = 	snop;
	(pc) =	sbr.rel @p1 .LBB1_5-.Ltmp2, $1  }
0x31: {  	_ =	sdelay $0x3  }
0x32: {  	s17 =	simm.s32 $0x1  }
0x33: {  	_ =	swait.ge [sflag:s6], $0x4000;
	s17 =	simm.s32 @!p0 $0x0  }
0x34: {  	[sflag:s6] =	ssyncset.done $0x0;
	s18 =	sshll.u32 s17, $0xE  }
0x35: {  	[sflag:s6] =	ssyncadd.s32 $0xFFFFC000;
	s20 =	sor.u32 $0x40, s18  }
0x36: {  	s17 =	smul.u32 $0x10200, s17;
	v0 =	vld [tilespmem:s20+$0x30]  }
0x37: {  	v3 =	vld [tilespmem:s20+$0xFFFFFFD0]  }
0x38: {  	s17 =	sshrl.u32 s17, $0x2;
	v4 =	vld [tilespmem:s20+$0xFFFFFFE0]  }
0x39: {  	v5 =	vld [tilespmem:s20+$0xFFFFFFF0];
	s18 =	sor.u32 $0x8000, s17  }
0x3a: {  	s31 =	sand.u32 $0x1, s13;
	v1 =	vld [tilespmem:s20+$0x0];
	s19 =	sadd.s32 $0x0, s18  }
0x3b: {  	v2 =	vld [tilespmem:s20+$0x10];
	s17 =	smul.u32 $0x10200, s31;
	[tilespmem:s19+$0x3870 ss:$0x81] =	vst.msk $0xffff, v0  }
0x3c: {  	[tilespmem:s19+$0x810 ss:$0x81] =	vst.msk $0xffff, v3;
	v3 =	vld [tilespmem:s20+$0x20]  }
0x3d: {  	s17 =	sshrl.u32 s17, $0x2;
	v0 =	vld [tilespmem:s20+$0xFFFFFFC0];
	[tilespmem:s19+$0x1020 ss:$0x81] =	vst.msk $0xffff, v4;
	s20 =	sadd.s32 $0x80, s20  }
0x3e: {  	s21 =	simm.s32 $0x4;
	s22 =	simm.s32 $0x8;
	s17 =	sor.u32 $0x8000, s17;
	[tilespmem:s19+$0x1830 ss:$0x81] =	vst.msk $0xffff, v5;
	v4 =	vld [tilespmem:s20+$0x30]  }
.LBB1_3:
0x3f: {  	p1 =	sne.s32 s22, $0x1FC;
	v5 =	vld [tilespmem:s20+$0xFFFFFFD0];
	[tilespmem:s19+$0x2040 ss:$0x81] =	vst.msk $0xffff, v1  }
0x40: {  	v6 =	vld [tilespmem:s20+$0xFFFFFFE0];
	[tilespmem:s19+$0x2850 ss:$0x81] =	vst.msk $0xffff, v2  }
0x41: {  	s23 =	sshra.s32 s21, $0x2;
	s21 =	smov.u32 s22;
	v7 =	vld [tilespmem:s20+$0xFFFFFFF0];
	[tilespmem:s19+$0x3060 ss:$0x81] =	vst.msk $0xffff, v3  }
.Ltmp3:
0x42: {  	v1 =	vld [tilespmem:s20+$0x0];
	[tilespmem:s19+$0x0 ss:$0x81] =	vst.msk $0xffff, v0;
	s19 =	sadd.s32 s23, s18;
	(pc) =	sbr.rel @p1 .LBB1_3-.Ltmp3, $4  }
0x43: {  	v2 =	vld [tilespmem:s20+$0x10];
	[tilespmem:s19+$0x3870 ss:$0x81] =	vst.msk $0xffff, v4  }
0x44: {  	[tilespmem:s19+$0x810 ss:$0x81] =	vst.msk $0xffff, v5;
	v3 =	vld [tilespmem:s20+$0x20]  }
0x45: {  	v0 =	vld [tilespmem:s20+$0xFFFFFFC0];
	[tilespmem:s19+$0x1020 ss:$0x81] =	vst.msk $0xffff, v6;
	s20 =	sadd.s32 $0x80, s20  }
0x46: {  	s22 =	sadd.s32 $0x4, s22;
	v4 =	vld [tilespmem:s20+$0x30];
	[tilespmem:s19+$0x1830 ss:$0x81] =	vst.msk $0xffff, v7  }
.Ltmp4:
0x47: {  	_ = 	snop;
	(pc) =	sbr.rel .LBB1_4-.Ltmp4, $1  }
0x48: {  	_ =	sdelay $0x3  }
.LBB1_6:
0x49: {  	_ =	sfence.sel $0x180000  }
0x4a: {  	s2 =	simm.s32 $0x1;
	[bflag:$0x0] =	sbarrier.arrive $0xFFFF  }
0x4b: {  	s31 =	simm.s32 $0x2;
	[sflag:s2] =	ssyncpa.u1 $0x1  }
0x4c: {  	[sflag:s31] =	ssyncpa.u1 $0x1  }
0x4d: {  	p0 =	sne.s32 s0, $0x0;
	_ =	strace $0x9000004D  }
0x4e: {  	s0 =	sadd.s32 @!p0 $0x100000, s1;
	[bflag:$0x2] =	sbarrier.arrive $0xFFFF  }
0x4f: {  	[sflag:s0] =	ssyncadd.tile.s32 @!p0 $0x1;
	_ =	shalt  }
.Lfunc_end1:
_tile_overlayer_lowered:
.L_overlay_start_2:
0x50: {  	(tag) =	ssettag $0x2  }
0x51: {  	s0 =	rddreg [dreg:$0x0];
	s2 =	stileid.u32  }
0x52: {  	s1 =	rddreg [dreg:$0x1];
	p0 =	sne.s32 s2, $0x0  }
0x53: {  	s3 =	rddreg [dreg:$0x2];
	[bflag:$0x3] =	sbarrier.arrive $0xFFFF;
	s2 =	simm.s32 @!p0 $0x1C01  }
0x54: {  	[timem:s3], [sflag:s2] =	dma.local @!p0 [hbm:s0], s1  }
0x55: {  	s0 =	simm.s32 @!p0 $0x1  }
0x56: {  	_ =	swait.ge @!p0 [sflag:s0], s1  }
0x57: {  	s1 =	ssub.s32 @!p0 $0x0, s1;
	[sflag:s0] =	ssyncset.done @!p0 $0x0  }
0x58: {  	[sflag:s0] =	ssyncadd.s32 @!p0 s1  }
0x59: {  	[bflag:$0x3] =	sbarrier.arrive $0xFFFF  }
0x5a: {  	_ =	shalt  }

</sc_bundles>
